<compile_context>
chip_gen: v7x
topology: tpu7x:2x2x1
jax: 0.10.2.dev20260603
libtpu: 0.0.44.dev20260713+nightly
codegen_flags: <defaults>
</compile_context>

<pallas_src>
import jax
import jax.numpy as jnp
from jax import lax
from jax.experimental import pallas as pl
from jax.experimental.pallas import tpu as pltpu
from jax.experimental.pallas import tpu_sc as plsc

N_NODES = 10000
D_FEAT = 128
HIDDEN = 64
N_CLASSES = 2
N_EDGES = 320000

DW = 80
CHUNK = 128
NC = 2
NS = 16
NW = NC * NS
NCH = N_EDGES // CHUNK
BASE = NCH // NW
EXTRA = NCH % NW
ROWS_PER_TILE = N_NODES // NS
BLK = 2000
GRID = N_NODES // BLK


def _proj_body(x_ref, w_ref, e_ref, o_ref):
    o_ref[...] = (
        jnp.dot(x_ref[...], w_ref[...], preferred_element_type=jnp.float32)
        + e_ref[...]
    )


def _finish_body(a_ref, sel_ref, be_ref, wh_ref, bh_ref, o_ref):
    s = a_ref[0] + a_ref[1]
    deg = jnp.sum(s * sel_ref[...], axis=1, keepdims=True)
    inv = 1.0 / jnp.maximum(deg, 1.0)
    h = jnp.maximum(s * inv + be_ref[...], 0.0)
    o_ref[...] = (
        jnp.dot(h, wh_ref[...], preferred_element_type=jnp.float32)
        + bh_ref[...]
    )


def _edge_agg(y_hbm, ei_hbm, zeros_hbm, out_hbm,
              src_v, dst_v, rows_v, agg_sh, gsem0, gsem1, csem0, csem1):
    c = lax.axis_index("c")
    s = lax.axis_index("s")
    wid = s * NC + c
    gsems = (gsem0, gsem1)
    csems = (csem0, csem1)
    lo = wid * BASE + jnp.minimum(wid, EXTRA)
    nch = BASE + jnp.where(wid < EXTRA, 1, 0)

    def _gather(ch, b, issue):
        d = pltpu.make_async_copy(
            y_hbm.at[src_v.at[ch]], rows_v.at[b], gsems[b])
        d.start() if issue else d.wait()

    def _scatter(ch, b):
        d = pltpu.make_async_copy(
            rows_v.at[b], agg_sh.at[dst_v.at[ch]], csems[b])
        d.start(add=True)
        d.wait()

    with jax.named_scope("sc_init"):
        pltpu.sync_copy(ei_hbm.at[pl.ds(lo, BASE)], src_v.at[pl.ds(0, BASE)])
        pltpu.sync_copy(ei_hbm.at[pl.ds(NCH + lo, BASE)],
                        dst_v.at[pl.ds(0, BASE)])

        @pl.when(wid < EXTRA)
        def _():
            pltpu.sync_copy(ei_hbm.at[pl.ds(lo + BASE, 1)],
                            src_v.at[pl.ds(BASE, 1)])
            pltpu.sync_copy(ei_hbm.at[pl.ds(NCH + lo + BASE, 1)],
                            dst_v.at[pl.ds(BASE, 1)])

        _gather(0, 0, True)
        _gather(1, 1, True)
        pltpu.sync_copy(zeros_hbm.at[pl.ds(s * ROWS_PER_TILE, ROWS_PER_TILE)],
                        agg_sh.at[pl.ds(s * ROWS_PER_TILE, ROWS_PER_TILE)])
        plsc.subcore_barrier()

    with jax.named_scope("edge_loop"):

        @pl.loop(0, BASE // 2)
        def _pairs(j):
            for b in range(2):
                ch = 2 * j + b
                _gather(ch, b, False)
                _scatter(ch, b)

                @pl.when(ch + 2 < nch)
                def _():
                    _gather(ch + 2, b, True)

        @pl.when(wid < EXTRA)
        def _():
            _gather(BASE, 0, False)
            _scatter(BASE, 0)

    plsc.subcore_barrier()
    with jax.named_scope("publish"):
        pltpu.sync_copy(
            agg_sh.at[pl.ds(s * ROWS_PER_TILE, ROWS_PER_TILE)],
            out_hbm.at[c].at[pl.ds(s * ROWS_PER_TILE, ROWS_PER_TILE)])


def kernel(x, edge_index, W_enc, b_enc, W_head, b_head):
    f32 = jnp.float32
    w_pad = jnp.pad(W_enc, ((0, 0), (0, DW - HIDDEN)))
    ones_row = jnp.zeros((1, DW), f32).at[0, HIDDEN].set(1.0)
    ei = edge_index.reshape(2 * NCH, CHUNK)

    y = pl.pallas_call(
        _proj_body,
        grid=(GRID,),
        in_specs=[
            pl.BlockSpec((BLK, D_FEAT), lambda i: (i, 0)),
            pl.BlockSpec((D_FEAT, DW), lambda i: (0, 0)),
            pl.BlockSpec((1, DW), lambda i: (0, 0)),
        ],
        out_specs=pl.BlockSpec((BLK, DW), lambda i: (i, 0)),
        out_shape=jax.ShapeDtypeStruct((N_NODES, DW), f32),
    )(x, w_pad, ones_row)

    zeros = jnp.zeros((N_NODES, DW), f32)
    agg2 = pl.kernel(
        _edge_agg,
        out_type=jax.ShapeDtypeStruct((NC, N_NODES, DW), f32),
        mesh=plsc.VectorSubcoreMesh(core_axis_name="c", subcore_axis_name="s"),
        compiler_params=pltpu.CompilerParams(
            use_tc_tiling_on_sc=False, disable_bounds_checks=True),
        scratch_types=[
            pltpu.VMEM((BASE + 1, CHUNK), jnp.int32),
            pltpu.VMEM((BASE + 1, CHUNK), jnp.int32),
            pltpu.VMEM((2, CHUNK, DW), f32),
            pltpu.VMEM_SHARED((N_NODES, DW), f32),
            pltpu.SemaphoreType.DMA,
            pltpu.SemaphoreType.DMA,
            pltpu.SemaphoreType.DMA,
            pltpu.SemaphoreType.DMA,
        ],
    )(y, ei, zeros)

    sel = jnp.zeros((1, DW), f32).at[0, HIDDEN].set(1.0)
    be_pad = jnp.pad(b_enc, (0, DW - HIDDEN)).reshape(1, DW)
    wh_pad = jnp.pad(W_head, ((0, DW - HIDDEN), (0, 0)))
    bh_pad = b_head.reshape(1, N_CLASSES)
    logits = pl.pallas_call(
        _finish_body,
        grid=(GRID,),
        in_specs=[
            pl.BlockSpec((NC, BLK, DW), lambda i: (0, i, 0)),
            pl.BlockSpec((1, DW), lambda i: (0, 0)),
            pl.BlockSpec((1, DW), lambda i: (0, 0)),
            pl.BlockSpec((DW, N_CLASSES), lambda i: (0, 0)),
            pl.BlockSpec((1, N_CLASSES), lambda i: (0, 0)),
        ],
        out_specs=pl.BlockSpec((BLK, N_CLASSES), lambda i: (i, 0)),
        out_shape=jax.ShapeDtypeStruct((N_NODES, N_CLASSES), f32),
    )(agg2, sel, be_pad, wh_pad, bh_pad)

    return logits

# --- scband reference (transcript-rebuilt; emitter-appended) ---
"""Pipeline reference for scband-node-classifier-62397284876495 (READ-ONLY COPY).

The authoritative reference and input builder live on the scoring server;
editing this copy changes nothing except your own understanding.
"""

import jax, jax.numpy as jnp
import numpy as np

N_NODES = 10000
N_EDGES = 320000
D_FEAT = 128
HIDDEN_DIM = 64
N_CLASSES = 2


def setup_inputs(seed: int = 0) -> dict:
    key = jax.random.key(seed)
    k1, k2, k3, k4, k5, k6 = jax.random.split(key, 6)
    x = jax.random.normal(k1, (N_NODES, D_FEAT), dtype=jnp.float32)
    edge_index = jax.random.randint(k2, (2, N_EDGES), 0, N_NODES, dtype=jnp.int32)
    # Encoder params: single-layer mean-aggregation GCN, d_feat -> hidden_dim
    W_enc = jax.random.normal(k3, (D_FEAT, HIDDEN_DIM), dtype=jnp.float32) * (1.0 / np.sqrt(D_FEAT))
    b_enc = jnp.zeros((HIDDEN_DIM,), dtype=jnp.float32)
    # Classification head: hidden_dim -> n_classes
    W_head = jax.random.normal(k4, (HIDDEN_DIM, N_CLASSES), dtype=jnp.float32) * (1.0 / np.sqrt(HIDDEN_DIM))
    b_head = jnp.zeros((N_CLASSES,), dtype=jnp.float32)
    return {"x": x, "edge_index": edge_index, "W_enc": W_enc, "b_enc": b_enc, "W_head": W_head, "b_head": b_head}


def _encoder(x, edge_index, W_enc, b_enc):
    # Mean-aggregation message passing returning node embeddings
    src = edge_index[0]
    dst = edge_index[1]
    msgs = jnp.take(x, src, axis=0)                      # gather: [E, d_feat]
    agg = jnp.zeros_like(x).at[dst].add(msgs)            # scatter-add: [N, d_feat]
    deg = jnp.zeros((x.shape[0],), dtype=x.dtype).at[dst].add(1.0)
    agg = agg / jnp.clip(deg, 1.0)[:, None]
    h = jax.nn.relu(agg @ W_enc + b_enc)                 # [N, hidden_dim]
    return h


def reference(x, edge_index, W_enc, b_enc, W_head, b_head):
    node_emb = _encoder(x, edge_index, W_enc, b_enc)
    logits = node_emb @ W_head + b_head                  # [N, n_classes]
    return logits

if __name__ == "__main__":
    import jax
    _d = setup_inputs()
    print(jax.jit(kernel)(*tuple(_d.values())))

</pallas_src>

<mosaic_0001>
#map = affine_map<(d0, d1) -> (0, 0)>
#map1 = affine_map<(d0, d1) -> (0, 0, 0)>
module attributes {stable_mosaic.version = 14 : i64} {
  func.func @_edge_agg(%arg0: i32, %arg1: i32, %arg2: memref<10000x80xf32, #tpu.memory_space<hbm>>, %arg3: memref<5000x128xi32, #tpu.memory_space<hbm>>, %arg4: memref<10000x80xf32, #tpu.memory_space<hbm>>, %arg5: memref<2x10000x80xf32, #tpu.memory_space<hbm>>, %arg6: memref<79x128xi32, #tpu.memory_space<vmem>>, %arg7: memref<79x128xi32, #tpu.memory_space<vmem>>, %arg8: memref<2x128x80xf32, #tpu.memory_space<vmem>>, %arg9: memref<10000x80xf32, #tpu.memory_space<vmem_shared>>, %arg10: memref<!tpu.dma_semaphore, #tpu.memory_space<semaphore_mem>>, %arg11: memref<!tpu.dma_semaphore, #tpu.memory_space<semaphore_mem>>, %arg12: memref<!tpu.dma_semaphore, #tpu.memory_space<semaphore_mem>>, %arg13: memref<!tpu.dma_semaphore, #tpu.memory_space<semaphore_mem>>) attributes {dimension_semantics = [#tpu.dimension_semantics<core_parallel>, #tpu.dimension_semantics<subcore_parallel>], iteration_bounds = array<i64: 2, 16>, scalar_prefetch = 0 : i64, scratch_operands = 8 : i64, tpu.core_type = #tpu.core_type<sc_vector_subcore>, window_params = [{transform_indices = #map}, {transform_indices = #map}, {transform_indices = #map}, {transform_indices = #map1}]} {
    %mul3A = arith.constant 2 : i32
    %mul3A_0 = arith.muli %arg1, %mul3A : i32
    %add3A = arith.addi %mul3A_0, %arg0 : i32
    %mul3A_1 = arith.constant 78 : i32
    %mul3A_2 = arith.muli %add3A, %mul3A_1 : i32
    %min3A = arith.constant 4 : i32
    %min3A_3 = arith.minsi %add3A, %min3A : i32
    %add3A_4 = arith.addi %mul3A_2, %min3A_3 : i32
    %lt3A = arith.constant 4 : i32
    %lt3A_5 = arith.cmpi slt, %add3A, %lt3A : i32
    %jit3A = arith.constant 1 : i32
    %jit3A_6 = arith.constant 0 : i32
    %select_n3A = arith.select %lt3A_5, %jit3A, %jit3A_6 : i32
    %add3A_7 = arith.constant 78 : i32
    %add3A_8 = arith.addi %add3A_7, %select_n3A : i32
    "tpu.trace_start"() <{level = 10 : i32, message = "sc_init"}> : () -> ()
    "tpu.region"() ({
      %run_scoped3A = tpu.sem_alloc : memref<!tpu.dma_semaphore, #tpu.memory_space<semaphore_mem>>
      %dma_start3A_55 = arith.constant 0 : i32
      %dma_start3A_56 = arith.constant 0 : i32
      %dma_start3A_57 = tpu.memref_slice %arg6[%dma_start3A_55, %dma_start3A_56] : memref<79x128xi32, #tpu.memory_space<vmem>> -> memref<78x128xi32, #tpu.memory_space<vmem>>
      %dma_start3A_58 = arith.constant 0 : i32
      %dma_start3A_59 = tpu.memref_slice %arg3[%add3A_4, %dma_start3A_58] : memref<5000x128xi32, #tpu.memory_space<hbm>> -> memref<78x128xi32, #tpu.memory_space<hbm>>
      %dma_start3A_60 = arith.constant 0 : i32
      %dma_start3A_61 = arith.constant 0 : i32
      %dma_start3A_62 = tpu.memref_slice %arg6[%dma_start3A_60, %dma_start3A_61] : memref<79x128xi32, #tpu.memory_space<vmem>> -> memref<78x128xi32, #tpu.memory_space<vmem>>
      %dma_start3A_63 = arith.constant 0 : i32
      %dma_start3A_64 = tpu.memref_slice %arg3[%add3A_4, %dma_start3A_63] : memref<5000x128xi32, #tpu.memory_space<hbm>> -> memref<78x128xi32, #tpu.memory_space<hbm>>
      tpu.enqueue_dma source(%dma_start3A_64 : memref<78x128xi32, #tpu.memory_space<hbm>>) target(%dma_start3A_62 : memref<78x128xi32, #tpu.memory_space<vmem>>) target_semaphore(%run_scoped3A : memref<!tpu.dma_semaphore, #tpu.memory_space<semaphore_mem>>)
      %dma_wait3A = arith.constant 0 : i32
      %dma_wait3A_65 = arith.constant 0 : i32
      %dma_wait3A_66 = tpu.memref_slice %arg6[%dma_wait3A, %dma_wait3A_65] : memref<79x128xi32, #tpu.memory_space<vmem>> -> memref<78x128xi32, #tpu.memory_space<vmem>>
      %dma_wait3A_67 = arith.constant 0 : i32
      %dma_wait3A_68 = tpu.memref_slice %arg3[%add3A_4, %dma_wait3A_67] : memref<5000x128xi32, #tpu.memory_space<hbm>> -> memref<78x128xi32, #tpu.memory_space<hbm>>
      %dma_wait3A_69 = arith.constant 0 : i32
      %dma_wait3A_70 = arith.constant 0 : i32
      %dma_wait3A_71 = tpu.memref_slice %arg6[%dma_wait3A_69, %dma_wait3A_70] : memref<79x128xi32, #tpu.memory_space<vmem>> -> memref<78x128xi32, #tpu.memory_space<vmem>>
      %dma_wait3A_72 = arith.constant 0 : i32
      %dma_wait3A_73 = tpu.memref_slice %arg3[%add3A_4, %dma_wait3A_72] : memref<5000x128xi32, #tpu.memory_space<hbm>> -> memref<78x128xi32, #tpu.memory_space<hbm>>
      tpu.wait_dma2 semaphore(%run_scoped3A : memref<!tpu.dma_semaphore, #tpu.memory_space<semaphore_mem>>) src(%dma_wait3A_73 : memref<78x128xi32, #tpu.memory_space<hbm>>) dst(%dma_wait3A_71 : memref<78x128xi32, #tpu.memory_space<vmem>>)
      tpu.yield
    }) : () -> ()
    %add3A_9 = arith.constant 2500 : i32
    %add3A_10 = arith.addi %add3A_9, %add3A_4 : i32
    "tpu.region"() ({
      %run_scoped3A = tpu.sem_alloc : memref<!tpu.dma_semaphore, #tpu.memory_space<semaphore_mem>>
      %dma_start3A_55 = arith.constant 0 : i32
      %dma_start3A_56 = arith.constant 0 : i32
      %dma_start3A_57 = tpu.memref_slice %arg7[%dma_start3A_55, %dma_start3A_56] : memref<79x128xi32, #tpu.memory_space<vmem>> -> memref<78x128xi32, #tpu.memory_space<vmem>>
      %dma_start3A_58 = arith.constant 0 : i32
      %dma_start3A_59 = tpu.memref_slice %arg3[%add3A_10, %dma_start3A_58] : memref<5000x128xi32, #tpu.memory_space<hbm>> -> memref<78x128xi32, #tpu.memory_space<hbm>>
      %dma_start3A_60 = arith.constant 0 : i32
      %dma_start3A_61 = arith.constant 0 : i32
      %dma_start3A_62 = tpu.memref_slice %arg7[%dma_start3A_60, %dma_start3A_61] : memref<79x128xi32, #tpu.memory_space<vmem>> -> memref<78x128xi32, #tpu.memory_space<vmem>>
      %dma_start3A_63 = arith.constant 0 : i32
      %dma_start3A_64 = tpu.memref_slice %arg3[%add3A_10, %dma_start3A_63] : memref<5000x128xi32, #tpu.memory_space<hbm>> -> memref<78x128xi32, #tpu.memory_space<hbm>>
      tpu.enqueue_dma source(%dma_start3A_64 : memref<78x128xi32, #tpu.memory_space<hbm>>) target(%dma_start3A_62 : memref<78x128xi32, #tpu.memory_space<vmem>>) target_semaphore(%run_scoped3A : memref<!tpu.dma_semaphore, #tpu.memory_space<semaphore_mem>>)
      %dma_wait3A = arith.constant 0 : i32
      %dma_wait3A_65 = arith.constant 0 : i32
      %dma_wait3A_66 = tpu.memref_slice %arg7[%dma_wait3A, %dma_wait3A_65] : memref<79x128xi32, #tpu.memory_space<vmem>> -> memref<78x128xi32, #tpu.memory_space<vmem>>
      %dma_wait3A_67 = arith.constant 0 : i32
      %dma_wait3A_68 = tpu.memref_slice %arg3[%add3A_10, %dma_wait3A_67] : memref<5000x128xi32, #tpu.memory_space<hbm>> -> memref<78x128xi32, #tpu.memory_space<hbm>>
      %dma_wait3A_69 = arith.constant 0 : i32
      %dma_wait3A_70 = arith.constant 0 : i32
      %dma_wait3A_71 = tpu.memref_slice %arg7[%dma_wait3A_69, %dma_wait3A_70] : memref<79x128xi32, #tpu.memory_space<vmem>> -> memref<78x128xi32, #tpu.memory_space<vmem>>
      %dma_wait3A_72 = arith.constant 0 : i32
      %dma_wait3A_73 = tpu.memref_slice %arg3[%add3A_10, %dma_wait3A_72] : memref<5000x128xi32, #tpu.memory_space<hbm>> -> memref<78x128xi32, #tpu.memory_space<hbm>>
      tpu.wait_dma2 semaphore(%run_scoped3A : memref<!tpu.dma_semaphore, #tpu.memory_space<semaphore_mem>>) src(%dma_wait3A_73 : memref<78x128xi32, #tpu.memory_space<hbm>>) dst(%dma_wait3A_71 : memref<78x128xi32, #tpu.memory_space<vmem>>)
      tpu.yield
    }) : () -> ()
    %lt3A_11 = arith.constant 4 : i32
    %lt3A_12 = arith.cmpi slt, %add3A, %lt3A_11 : i32
    %convert_element_type3A = arith.extui %lt3A_12 : i1 to i32
    %cond3A = arith.constant 0 : i32
    %cond3A_13 = arith.cmpi ne, %convert_element_type3A, %cond3A : i32
    scf.if %cond3A_13 {
      %add3A_55 = arith.constant 78 : i32
      %add3A_56 = arith.addi %add3A_4, %add3A_55 : i32
      "tpu.region"() ({
        %run_scoped3A = tpu.sem_alloc : memref<!tpu.dma_semaphore, #tpu.memory_space<semaphore_mem>>
        %dma_start3A_61 = arith.constant 78 : i32
        %dma_start3A_62 = arith.constant 0 : i32
        %dma_start3A_63 = tpu.memref_slice %arg6[%dma_start3A_61, %dma_start3A_62] : memref<79x128xi32, #tpu.memory_space<vmem>> -> memref<1x128xi32, #tpu.memory_space<vmem>>
        %dma_start3A_64 = arith.constant 0 : i32
        %dma_start3A_65 = tpu.memref_slice %arg3[%add3A_56, %dma_start3A_64] : memref<5000x128xi32, #tpu.memory_space<hbm>> -> memref<1x128xi32, #tpu.memory_space<hbm>>
        %dma_start3A_66 = arith.constant 78 : i32
        %dma_start3A_67 = arith.constant 0 : i32
        %dma_start3A_68 = tpu.memref_slice %arg6[%dma_start3A_66, %dma_start3A_67] : memref<79x128xi32, #tpu.memory_space<vmem>> -> memref<1x128xi32, #tpu.memory_space<vmem>>
        %dma_start3A_69 = arith.constant 0 : i32
        %dma_start3A_70 = tpu.memref_slice %arg3[%add3A_56, %dma_start3A_69] : memref<5000x128xi32, #tpu.memory_space<hbm>> -> memref<1x128xi32, #tpu.memory_space<hbm>>
        tpu.enqueue_dma source(%dma_start3A_70 : memref<1x128xi32, #tpu.memory_space<hbm>>) target(%dma_start3A_68 : memref<1x128xi32, #tpu.memory_space<vmem>>) target_semaphore(%run_scoped3A : memref<!tpu.dma_semaphore, #tpu.memory_space<semaphore_mem>>)
        %dma_wait3A = arith.constant 78 : i32
        %dma_wait3A_71 = arith.constant 0 : i32
        %dma_wait3A_72 = tpu.memref_slice %arg6[%dma_wait3A, %dma_wait3A_71] : memref<79x128xi32, #tpu.memory_space<vmem>> -> memref<1x128xi32, #tpu.memory_space<vmem>>
        %dma_wait3A_73 = arith.constant 0 : i32
        %dma_wait3A_74 = tpu.memref_slice %arg3[%add3A_56, %dma_wait3A_73] : memref<5000x128xi32, #tpu.memory_space<hbm>> -> memref<1x128xi32, #tpu.memory_space<hbm>>
        %dma_wait3A_75 = arith.constant 78 : i32
        %dma_wait3A_76 = arith.constant 0 : i32
        %dma_wait3A_77 = tpu.memref_slice %arg6[%dma_wait3A_75, %dma_wait3A_76] : memref<79x128xi32, #tpu.memory_space<vmem>> -> memref<1x128xi32, #tpu.memory_space<vmem>>
        %dma_wait3A_78 = arith.constant 0 : i32
        %dma_wait3A_79 = tpu.memref_slice %arg3[%add3A_56, %dma_wait3A_78] : memref<5000x128xi32, #tpu.memory_space<hbm>> -> memref<1x128xi32, #tpu.memory_space<hbm>>
        tpu.wait_dma2 semaphore(%run_scoped3A : memref<!tpu.dma_semaphore, #tpu.memory_space<semaphore_mem>>) src(%dma_wait3A_79 : memref<1x128xi32, #tpu.memory_space<hbm>>) dst(%dma_wait3A_77 : memref<1x128xi32, #tpu.memory_space<vmem>>)
        tpu.yield
      }) : () -> ()
      %add3A_57 = arith.constant 2500 : i32
      %add3A_58 = arith.addi %add3A_57, %add3A_4 : i32
      %add3A_59 = arith.constant 78 : i32
      %add3A_60 = arith.addi %add3A_58, %add3A_59 : i32
      "tpu.region"() ({
        %run_scoped3A = tpu.sem_alloc : memref<!tpu.dma_semaphore, #tpu.memory_space<semaphore_mem>>
        %dma_start3A_61 = arith.constant 78 : i32
        %dma_start3A_62 = arith.constant 0 : i32
        %dma_start3A_63 = tpu.memref_slice %arg7[%dma_start3A_61, %dma_start3A_62] : memref<79x128xi32, #tpu.memory_space<vmem>> -> memref<1x128xi32, #tpu.memory_space<vmem>>
        %dma_start3A_64 = arith.constant 0 : i32
        %dma_start3A_65 = tpu.memref_slice %arg3[%add3A_60, %dma_start3A_64] : memref<5000x128xi32, #tpu.memory_space<hbm>> -> memref<1x128xi32, #tpu.memory_space<hbm>>
        %dma_start3A_66 = arith.constant 78 : i32
        %dma_start3A_67 = arith.constant 0 : i32
        %dma_start3A_68 = tpu.memref_slice %arg7[%dma_start3A_66, %dma_start3A_67] : memref<79x128xi32, #tpu.memory_space<vmem>> -> memref<1x128xi32, #tpu.memory_space<vmem>>
        %dma_start3A_69 = arith.constant 0 : i32
        %dma_start3A_70 = tpu.memref_slice %arg3[%add3A_60, %dma_start3A_69] : memref<5000x128xi32, #tpu.memory_space<hbm>> -> memref<1x128xi32, #tpu.memory_space<hbm>>
        tpu.enqueue_dma source(%dma_start3A_70 : memref<1x128xi32, #tpu.memory_space<hbm>>) target(%dma_start3A_68 : memref<1x128xi32, #tpu.memory_space<vmem>>) target_semaphore(%run_scoped3A : memref<!tpu.dma_semaphore, #tpu.memory_space<semaphore_mem>>)
        %dma_wait3A = arith.constant 78 : i32
        %dma_wait3A_71 = arith.constant 0 : i32
        %dma_wait3A_72 = tpu.memref_slice %arg7[%dma_wait3A, %dma_wait3A_71] : memref<79x128xi32, #tpu.memory_space<vmem>> -> memref<1x128xi32, #tpu.memory_space<vmem>>
        %dma_wait3A_73 = arith.constant 0 : i32
        %dma_wait3A_74 = tpu.memref_slice %arg3[%add3A_60, %dma_wait3A_73] : memref<5000x128xi32, #tpu.memory_space<hbm>> -> memref<1x128xi32, #tpu.memory_space<hbm>>
        %dma_wait3A_75 = arith.constant 78 : i32
        %dma_wait3A_76 = arith.constant 0 : i32
        %dma_wait3A_77 = tpu.memref_slice %arg7[%dma_wait3A_75, %dma_wait3A_76] : memref<79x128xi32, #tpu.memory_space<vmem>> -> memref<1x128xi32, #tpu.memory_space<vmem>>
        %dma_wait3A_78 = arith.constant 0 : i32
        %dma_wait3A_79 = tpu.memref_slice %arg3[%add3A_60, %dma_wait3A_78] : memref<5000x128xi32, #tpu.memory_space<hbm>> -> memref<1x128xi32, #tpu.memory_space<hbm>>
        tpu.wait_dma2 semaphore(%run_scoped3A : memref<!tpu.dma_semaphore, #tpu.memory_space<semaphore_mem>>) src(%dma_wait3A_79 : memref<1x128xi32, #tpu.memory_space<hbm>>) dst(%dma_wait3A_77 : memref<1x128xi32, #tpu.memory_space<vmem>>)
        tpu.yield
      }) : () -> ()
    } else {
    }
    %dma_start3A = arith.constant 0 : i32
    %dma_start3A_14 = arith.constant 0 : i32
    %dma_start3A_15 = arith.constant 0 : i32
    %dma_start3A_16 = arith.constant 0 : i32
    %dma_start3A_17 = tpu.memref_slice %arg8[%dma_start3A_14, %dma_start3A_15, %dma_start3A_16] : memref<2x128x80xf32, #tpu.memory_space<vmem>> -> memref<1x128x80xf32, #tpu.memory_space<vmem>>
    %dma_start3A_18 = tpu.memref_squeeze %dma_start3A_17 : memref<1x128x80xf32, #tpu.memory_space<vmem>> -> memref<128x80xf32, #tpu.memory_space<vmem>>
    %dma_start3A_19 = arith.constant 0 : i32
    %dma_start3A_20 = tpu.memref_slice %arg6[%dma_start3A, %dma_start3A_19] : memref<79x128xi32, #tpu.memory_space<vmem>> -> memref<1x128xi32, #tpu.memory_space<vmem>>
    %dma_start3A_21 = tpu.memref_squeeze %dma_start3A_20 : memref<1x128xi32, #tpu.memory_space<vmem>> -> memref<128xi32, #tpu.memory_space<vmem>>
    %dma_start3A_22 = arith.constant 0 : i32
    %dma_start3A_23 = arith.constant 0 : i32
    %dma_start3A_24 = tpu.memref_slice %arg2[%dma_start3A_22, %dma_start3A_23] : memref<10000x80xf32, #tpu.memory_space<hbm>> -> memref<10000x80xf32, #tpu.memory_space<hbm>>
    tpu.enqueue_indirect_dma source(%dma_start3A_24 : memref<10000x80xf32, #tpu.memory_space<hbm>>) target(%dma_start3A_18 : memref<128x80xf32, #tpu.memory_space<vmem>>) offsets(%dma_start3A_21 : memref<128xi32, #tpu.memory_space<vmem>>) semaphore(%arg10 : memref<!tpu.dma_semaphore, #tpu.memory_space<semaphore_mem>>)
    %dma_start3A_25 = arith.constant 1 : i32
    %dma_start3A_26 = arith.constant 1 : i32
    %dma_start3A_27 = arith.constant 0 : i32
    %dma_start3A_28 = arith.constant 0 : i32
    %dma_start3A_29 = tpu.memref_slice %arg8[%dma_start3A_26, %dma_start3A_27, %dma_start3A_28] : memref<2x128x80xf32, #tpu.memory_space<vmem>> -> memref<1x128x80xf32, #tpu.memory_space<vmem>>
    %dma_start3A_30 = tpu.memref_squeeze %dma_start3A_29 : memref<1x128x80xf32, #tpu.memory_space<vmem>> -> memref<128x80xf32, #tpu.memory_space<vmem>>
    %dma_start3A_31 = arith.constant 0 : i32
    %dma_start3A_32 = tpu.memref_slice %arg6[%dma_start3A_25, %dma_start3A_31] : memref<79x128xi32, #tpu.memory_space<vmem>> -> memref<1x128xi32, #tpu.memory_space<vmem>>
    %dma_start3A_33 = tpu.memref_squeeze %dma_start3A_32 : memref<1x128xi32, #tpu.memory_space<vmem>> -> memref<128xi32, #tpu.memory_space<vmem>>
    %dma_start3A_34 = arith.constant 0 : i32
    %dma_start3A_35 = arith.constant 0 : i32
    %dma_start3A_36 = tpu.memref_slice %arg2[%dma_start3A_34, %dma_start3A_35] : memref<10000x80xf32, #tpu.memory_space<hbm>> -> memref<10000x80xf32, #tpu.memory_space<hbm>>
    tpu.enqueue_indirect_dma source(%dma_start3A_36 : memref<10000x80xf32, #tpu.memory_space<hbm>>) target(%dma_start3A_30 : memref<128x80xf32, #tpu.memory_space<vmem>>) offsets(%dma_start3A_33 : memref<128xi32, #tpu.memory_space<vmem>>) semaphore(%arg11 : memref<!tpu.dma_semaphore, #tpu.memory_space<semaphore_mem>>)
    %mul3A_37 = arith.constant 625 : i32
    %mul3A_38 = arith.muli %arg1, %mul3A_37 : i32
    %mul3A_39 = arith.constant 625 : i32
    %mul3A_40 = arith.muli %arg1, %mul3A_39 : i32
    "tpu.region"() ({
      %run_scoped3A = tpu.sem_alloc : memref<!tpu.dma_semaphore, #tpu.memory_space<semaphore_mem>>
      %dma_start3A_55 = arith.constant 0 : i32
      %dma_start3A_56 = tpu.memref_slice %arg9[%mul3A_40, %dma_start3A_55] : memref<10000x80xf32, #tpu.memory_space<vmem_shared>> -> memref<625x80xf32, #tpu.memory_space<vmem_shared>>
      %dma_start3A_57 = arith.constant 0 : i32
      %dma_start3A_58 = tpu.memref_slice %arg4[%mul3A_38, %dma_start3A_57] : memref<10000x80xf32, #tpu.memory_space<hbm>> -> memref<625x80xf32, #tpu.memory_space<hbm>>
      tpu.enqueue_dma source(%dma_start3A_58 : memref<625x80xf32, #tpu.memory_space<hbm>>) target(%dma_start3A_56 : memref<625x80xf32, #tpu.memory_space<vmem_shared>>) target_semaphore(%run_scoped3A : memref<!tpu.dma_semaphore, #tpu.memory_space<semaphore_mem>>)
      %dma_wait3A = arith.constant 0 : i32
      %dma_wait3A_59 = tpu.memref_slice %arg9[%mul3A_40, %dma_wait3A] : memref<10000x80xf32, #tpu.memory_space<vmem_shared>> -> memref<625x80xf32, #tpu.memory_space<vmem_shared>>
      %dma_wait3A_60 = arith.constant 0 : i32
      %dma_wait3A_61 = tpu.memref_slice %arg4[%mul3A_38, %dma_wait3A_60] : memref<10000x80xf32, #tpu.memory_space<hbm>> -> memref<625x80xf32, #tpu.memory_space<hbm>>
      tpu.wait_dma2 semaphore(%run_scoped3A : memref<!tpu.dma_semaphore, #tpu.memory_space<semaphore_mem>>) src(%dma_wait3A_61 : memref<625x80xf32, #tpu.memory_space<hbm>>) dst(%dma_wait3A_59 : memref<625x80xf32, #tpu.memory_space<vmem_shared>>)
      tpu.yield
    }) : () -> ()
    %barrier3A = arith.constant 0 : index
    tpu.barrier barrier_id(%barrier3A)
    "tpu.trace_stop"() : () -> ()
    "tpu.trace_start"() <{level = 10 : i32, message = "edge_loop"}> : () -> ()
    %scan3A = arith.constant 0 : i32
    %scan3A_41 = arith.constant 39 : i32
    %scan3A_42 = arith.addi %scan3A, %scan3A_41 : i32
    %scan3A_43 = arith.constant 1 : i32
    scf.for %scan3A_55 = %scan3A to %scan3A_42 step %scan3A_43  : i32 {
      %mul3A_56 = arith.constant 1 : i32
      %mul3A_57 = arith.muli %scan3A_55, %mul3A_56 : i32
      %add3A_58 = arith.constant 0 : i32
      %add3A_59 = arith.addi %add3A_58, %mul3A_57 : i32
      %mul3A_60 = arith.constant 2 : i32
      %mul3A_61 = arith.muli %mul3A_60, %add3A_59 : i32
      %add3A_62 = arith.constant 0 : i32
      %add3A_63 = arith.addi %mul3A_61, %add3A_62 : i32
      %dma_wait3A = arith.constant 0 : i32
      %dma_wait3A_64 = arith.constant 0 : i32
      %dma_wait3A_65 = arith.constant 0 : i32
      %dma_wait3A_66 = tpu.memref_slice %arg8[%dma_wait3A, %dma_wait3A_64, %dma_wait3A_65] : memref<2x128x80xf32, #tpu.memory_space<vmem>> -> memref<1x128x80xf32, #tpu.memory_space<vmem>>
      %dma_wait3A_67 = tpu.memref_squeeze %dma_wait3A_66 : memref<1x128x80xf32, #tpu.memory_space<vmem>> -> memref<128x80xf32, #tpu.memory_space<vmem>>
      %dma_wait3A_68 = arith.constant 0 : i32
      %dma_wait3A_69 = tpu.memref_slice %arg6[%add3A_63, %dma_wait3A_68] : memref<79x128xi32, #tpu.memory_space<vmem>> -> memref<1x128xi32, #tpu.memory_space<vmem>>
      %dma_wait3A_70 = tpu.memref_squeeze %dma_wait3A_69 : memref<1x128xi32, #tpu.memory_space<vmem>> -> memref<128xi32, #tpu.memory_space<vmem>>
      %dma_wait3A_71 = arith.constant 0 : i32
      %dma_wait3A_72 = arith.constant 0 : i32
      %dma_wait3A_73 = tpu.memref_slice %arg2[%dma_wait3A_71, %dma_wait3A_72] : memref<10000x80xf32, #tpu.memory_space<hbm>> -> memref<10000x80xf32, #tpu.memory_space<hbm>>
      tpu.wait_indirect_dma semaphore(%arg10 : memref<!tpu.dma_semaphore, #tpu.memory_space<semaphore_mem>>) src(%dma_wait3A_73 : memref<10000x80xf32, #tpu.memory_space<hbm>>) dst(%dma_wait3A_67 : memref<128x80xf32, #tpu.memory_space<vmem>>)
      %dma_start3A_74 = arith.constant 0 : i32
      %dma_start3A_75 = arith.constant 0 : i32
      %dma_start3A_76 = arith.constant 0 : i32
      %dma_start3A_77 = tpu.memref_slice %arg8[%dma_start3A_74, %dma_start3A_75, %dma_start3A_76] : memref<2x128x80xf32, #tpu.memory_space<vmem>> -> memref<1x128x80xf32, #tpu.memory_space<vmem>>
      %dma_start3A_78 = tpu.memref_squeeze %dma_start3A_77 : memref<1x128x80xf32, #tpu.memory_space<vmem>> -> memref<128x80xf32, #tpu.memory_space<vmem>>
      %dma_start3A_79 = arith.constant 0 : i32
      %dma_start3A_80 = tpu.memref_slice %arg7[%add3A_63, %dma_start3A_79] : memref<79x128xi32, #tpu.memory_space<vmem>> -> memref<1x128xi32, #tpu.memory_space<vmem>>
      %dma_start3A_81 = tpu.memref_squeeze %dma_start3A_80 : memref<1x128xi32, #tpu.memory_space<vmem>> -> memref<128xi32, #tpu.memory_space<vmem>>
      %dma_start3A_82 = arith.constant 0 : i32
      %dma_start3A_83 = arith.constant 0 : i32
      %dma_start3A_84 = tpu.memref_slice %arg9[%dma_start3A_82, %dma_start3A_83] : memref<10000x80xf32, #tpu.memory_space<vmem_shared>> -> memref<10000x80xf32, #tpu.memory_space<vmem_shared>>
      tpu.enqueue_indirect_dma source(%dma_start3A_78 : memref<128x80xf32, #tpu.memory_space<vmem>>) target(%dma_start3A_84 : memref<10000x80xf32, #tpu.memory_space<vmem_shared>>) offsets(%dma_start3A_81 : memref<128xi32, #tpu.memory_space<vmem>>) semaphore(%arg12 : memref<!tpu.dma_semaphore, #tpu.memory_space<semaphore_mem>>) {add = true}
      %dma_wait3A_85 = arith.constant 0 : i32
      %dma_wait3A_86 = arith.constant 0 : i32
      %dma_wait3A_87 = arith.constant 0 : i32
      %dma_wait3A_88 = tpu.memref_slice %arg8[%dma_wait3A_85, %dma_wait3A_86, %dma_wait3A_87] : memref<2x128x80xf32, #tpu.memory_space<vmem>> -> memref<1x128x80xf32, #tpu.memory_space<vmem>>
      %dma_wait3A_89 = tpu.memref_squeeze %dma_wait3A_88 : memref<1x128x80xf32, #tpu.memory_space<vmem>> -> memref<128x80xf32, #tpu.memory_space<vmem>>
      %dma_wait3A_90 = arith.constant 0 : i32
      %dma_wait3A_91 = tpu.memref_slice %arg7[%add3A_63, %dma_wait3A_90] : memref<79x128xi32, #tpu.memory_space<vmem>> -> memref<1x128xi32, #tpu.memory_space<vmem>>
      %dma_wait3A_92 = tpu.memref_squeeze %dma_wait3A_91 : memref<1x128xi32, #tpu.memory_space<vmem>> -> memref<128xi32, #tpu.memory_space<vmem>>
      %dma_wait3A_93 = arith.constant 0 : i32
      %dma_wait3A_94 = arith.constant 0 : i32
      %dma_wait3A_95 = tpu.memref_slice %arg9[%dma_wait3A_93, %dma_wait3A_94] : memref<10000x80xf32, #tpu.memory_space<vmem_shared>> -> memref<10000x80xf32, #tpu.memory_space<vmem_shared>>
      tpu.wait_indirect_dma semaphore(%arg12 : memref<!tpu.dma_semaphore, #tpu.memory_space<semaphore_mem>>) src(%dma_wait3A_89 : memref<128x80xf32, #tpu.memory_space<vmem>>) dst(%dma_wait3A_95 : memref<10000x80xf32, #tpu.memory_space<vmem_shared>>)
      %add3A_96 = arith.constant 2 : i32
      %add3A_97 = arith.addi %add3A_63, %add3A_96 : i32
      %lt3A_98 = arith.cmpi slt, %add3A_97, %add3A_8 : i32
      %convert_element_type3A_99 = arith.extui %lt3A_98 : i1 to i32
      %cond3A_100 = arith.constant 0 : i32
      %cond3A_101 = arith.cmpi ne, %convert_element_type3A_99, %cond3A_100 : i32
      scf.if %cond3A_101 {
        %add3A_145 = arith.constant 2 : i32
        %add3A_146 = arith.addi %add3A_63, %add3A_145 : i32
        %dma_start3A_147 = arith.constant 0 : i32
        %dma_start3A_148 = arith.constant 0 : i32
        %dma_start3A_149 = arith.constant 0 : i32
        %dma_start3A_150 = tpu.memref_slice %arg8[%dma_start3A_147, %dma_start3A_148, %dma_start3A_149] : memref<2x128x80xf32, #tpu.memory_space<vmem>> -> memref<1x128x80xf32, #tpu.memory_space<vmem>>
        %dma_start3A_151 = tpu.memref_squeeze %dma_start3A_150 : memref<1x128x80xf32, #tpu.memory_space<vmem>> -> memref<128x80xf32, #tpu.memory_space<vmem>>
        %dma_start3A_152 = arith.constant 0 : i32
        %dma_start3A_153 = tpu.memref_slice %arg6[%add3A_146, %dma_start3A_152] : memref<79x128xi32, #tpu.memory_space<vmem>> -> memref<1x128xi32, #tpu.memory_space<vmem>>
        %dma_start3A_154 = tpu.memref_squeeze %dma_start3A_153 : memref<1x128xi32, #tpu.memory_space<vmem>> -> memref<128xi32, #tpu.memory_space<vmem>>
        %dma_start3A_155 = arith.constant 0 : i32
        %dma_start3A_156 = arith.constant 0 : i32
        %dma_start3A_157 = tpu.memref_slice %arg2[%dma_start3A_155, %dma_start3A_156] : memref<10000x80xf32, #tpu.memory_space<hbm>> -> memref<10000x80xf32, #tpu.memory_space<hbm>>
        tpu.enqueue_indirect_dma source(%dma_start3A_157 : memref<10000x80xf32, #tpu.memory_space<hbm>>) target(%dma_start3A_151 : memref<128x80xf32, #tpu.memory_space<vmem>>) offsets(%dma_start3A_154 : memref<128xi32, #tpu.memory_space<vmem>>) semaphore(%arg10 : memref<!tpu.dma_semaphore, #tpu.memory_space<semaphore_mem>>)
      } else {
      }
      %mul3A_102 = arith.constant 2 : i32
      %mul3A_103 = arith.muli %mul3A_102, %add3A_59 : i32
      %add3A_104 = arith.constant 1 : i32
      %add3A_105 = arith.addi %mul3A_103, %add3A_104 : i32
      %dma_wait3A_106 = arith.constant 1 : i32
      %dma_wait3A_107 = arith.constant 0 : i32
      %dma_wait3A_108 = arith.constant 0 : i32
      %dma_wait3A_109 = tpu.memref_slice %arg8[%dma_wait3A_106, %dma_wait3A_107, %dma_wait3A_108] : memref<2x128x80xf32, #tpu.memory_space<vmem>> -> memref<1x128x80xf32, #tpu.memory_space<vmem>>
      %dma_wait3A_110 = tpu.memref_squeeze %dma_wait3A_109 : memref<1x128x80xf32, #tpu.memory_space<vmem>> -> memref<128x80xf32, #tpu.memory_space<vmem>>
      %dma_wait3A_111 = arith.constant 0 : i32
      %dma_wait3A_112 = tpu.memref_slice %arg6[%add3A_105, %dma_wait3A_111] : memref<79x128xi32, #tpu.memory_space<vmem>> -> memref<1x128xi32, #tpu.memory_space<vmem>>
      %dma_wait3A_113 = tpu.memref_squeeze %dma_wait3A_112 : memref<1x128xi32, #tpu.memory_space<vmem>> -> memref<128xi32, #tpu.memory_space<vmem>>
      %dma_wait3A_114 = arith.constant 0 : i32
      %dma_wait3A_115 = arith.constant 0 : i32
      %dma_wait3A_116 = tpu.memref_slice %arg2[%dma_wait3A_114, %dma_wait3A_115] : memref<10000x80xf32, #tpu.memory_space<hbm>> -> memref<10000x80xf32, #tpu.memory_space<hbm>>
      tpu.wait_indirect_dma semaphore(%arg11 : memref<!tpu.dma_semaphore, #tpu.memory_space<semaphore_mem>>) src(%dma_wait3A_116 : memref<10000x80xf32, #tpu.memory_space<hbm>>) dst(%dma_wait3A_110 : memref<128x80xf32, #tpu.memory_space<vmem>>)
      %dma_start3A_117 = arith.constant 1 : i32
      %dma_start3A_118 = arith.constant 0 : i32
      %dma_start3A_119 = arith.constant 0 : i32
      %dma_start3A_120 = tpu.memref_slice %arg8[%dma_start3A_117, %dma_start3A_118, %dma_start3A_119] : memref<2x128x80xf32, #tpu.memory_space<vmem>> -> memref<1x128x80xf32, #tpu.memory_space<vmem>>
      %dma_start3A_121 = tpu.memref_squeeze %dma_start3A_120 : memref<1x128x80xf32, #tpu.memory_space<vmem>> -> memref<128x80xf32, #tpu.memory_space<vmem>>
      %dma_start3A_122 = arith.constant 0 : i32
      %dma_start3A_123 = tpu.memref_slice %arg7[%add3A_105, %dma_start3A_122] : memref<79x128xi32, #tpu.memory_space<vmem>> -> memref<1x128xi32, #tpu.memory_space<vmem>>
      %dma_start3A_124 = tpu.memref_squeeze %dma_start3A_123 : memref<1x128xi32, #tpu.memory_space<vmem>> -> memref<128xi32, #tpu.memory_space<vmem>>
      %dma_start3A_125 = arith.constant 0 : i32
      %dma_start3A_126 = arith.constant 0 : i32
      %dma_start3A_127 = tpu.memref_slice %arg9[%dma_start3A_125, %dma_start3A_126] : memref<10000x80xf32, #tpu.memory_space<vmem_shared>> -> memref<10000x80xf32, #tpu.memory_space<vmem_shared>>
      tpu.enqueue_indirect_dma source(%dma_start3A_121 : memref<128x80xf32, #tpu.memory_space<vmem>>) target(%dma_start3A_127 : memref<10000x80xf32, #tpu.memory_space<vmem_shared>>) offsets(%dma_start3A_124 : memref<128xi32, #tpu.memory_space<vmem>>) semaphore(%arg13 : memref<!tpu.dma_semaphore, #tpu.memory_space<semaphore_mem>>) {add = true}
      %dma_wait3A_128 = arith.constant 1 : i32
      %dma_wait3A_129 = arith.constant 0 : i32
      %dma_wait3A_130 = arith.constant 0 : i32
      %dma_wait3A_131 = tpu.memref_slice %arg8[%dma_wait3A_128, %dma_wait3A_129, %dma_wait3A_130] : memref<2x128x80xf32, #tpu.memory_space<vmem>> -> memref<1x128x80xf32, #tpu.memory_space<vmem>>
      %dma_wait3A_132 = tpu.memref_squeeze %dma_wait3A_131 : memref<1x128x80xf32, #tpu.memory_space<vmem>> -> memref<128x80xf32, #tpu.memory_space<vmem>>
      %dma_wait3A_133 = arith.constant 0 : i32
      %dma_wait3A_134 = tpu.memref_slice %arg7[%add3A_105, %dma_wait3A_133] : memref<79x128xi32, #tpu.memory_space<vmem>> -> memref<1x128xi32, #tpu.memory_space<vmem>>
      %dma_wait3A_135 = tpu.memref_squeeze %dma_wait3A_134 : memref<1x128xi32, #tpu.memory_space<vmem>> -> memref<128xi32, #tpu.memory_space<vmem>>
      %dma_wait3A_136 = arith.constant 0 : i32
      %dma_wait3A_137 = arith.constant 0 : i32
      %dma_wait3A_138 = tpu.memref_slice %arg9[%dma_wait3A_136, %dma_wait3A_137] : memref<10000x80xf32, #tpu.memory_space<vmem_shared>> -> memref<10000x80xf32, #tpu.memory_space<vmem_shared>>
      tpu.wait_indirect_dma semaphore(%arg13 : memref<!tpu.dma_semaphore, #tpu.memory_space<semaphore_mem>>) src(%dma_wait3A_132 : memref<128x80xf32, #tpu.memory_space<vmem>>) dst(%dma_wait3A_138 : memref<10000x80xf32, #tpu.memory_space<vmem_shared>>)
      %add3A_139 = arith.constant 2 : i32
      %add3A_140 = arith.addi %add3A_105, %add3A_139 : i32
      %lt3A_141 = arith.cmpi slt, %add3A_140, %add3A_8 : i32
      %convert_element_type3A_142 = arith.extui %lt3A_141 : i1 to i32
      %cond3A_143 = arith.constant 0 : i32
      %cond3A_144 = arith.cmpi ne, %convert_element_type3A_142, %cond3A_143 : i32
      scf.if %cond3A_144 {
        %add3A_145 = arith.constant 2 : i32
        %add3A_146 = arith.addi %add3A_105, %add3A_145 : i32
        %dma_start3A_147 = arith.constant 1 : i32
        %dma_start3A_148 = arith.constant 0 : i32
        %dma_start3A_149 = arith.constant 0 : i32
        %dma_start3A_150 = tpu.memref_slice %arg8[%dma_start3A_147, %dma_start3A_148, %dma_start3A_149] : memref<2x128x80xf32, #tpu.memory_space<vmem>> -> memref<1x128x80xf32, #tpu.memory_space<vmem>>
        %dma_start3A_151 = tpu.memref_squeeze %dma_start3A_150 : memref<1x128x80xf32, #tpu.memory_space<vmem>> -> memref<128x80xf32, #tpu.memory_space<vmem>>
        %dma_start3A_152 = arith.constant 0 : i32
        %dma_start3A_153 = tpu.memref_slice %arg6[%add3A_146, %dma_start3A_152] : memref<79x128xi32, #tpu.memory_space<vmem>> -> memref<1x128xi32, #tpu.memory_space<vmem>>
        %dma_start3A_154 = tpu.memref_squeeze %dma_start3A_153 : memref<1x128xi32, #tpu.memory_space<vmem>> -> memref<128xi32, #tpu.memory_space<vmem>>
        %dma_start3A_155 = arith.constant 0 : i32
        %dma_start3A_156 = arith.constant 0 : i32
        %dma_start3A_157 = tpu.memref_slice %arg2[%dma_start3A_155, %dma_start3A_156] : memref<10000x80xf32, #tpu.memory_space<hbm>> -> memref<10000x80xf32, #tpu.memory_space<hbm>>
        tpu.enqueue_indirect_dma source(%dma_start3A_157 : memref<10000x80xf32, #tpu.memory_space<hbm>>) target(%dma_start3A_151 : memref<128x80xf32, #tpu.memory_space<vmem>>) offsets(%dma_start3A_154 : memref<128xi32, #tpu.memory_space<vmem>>) semaphore(%arg11 : memref<!tpu.dma_semaphore, #tpu.memory_space<semaphore_mem>>)
      } else {
      }
    }
    %scan3A_44 = arith.constant 39 : i32
    %lt3A_45 = arith.constant 4 : i32
    %lt3A_46 = arith.cmpi slt, %add3A, %lt3A_45 : i32
    %convert_element_type3A_47 = arith.extui %lt3A_46 : i1 to i32
    %cond3A_48 = arith.constant 0 : i32
    %cond3A_49 = arith.cmpi ne, %convert_element_type3A_47, %cond3A_48 : i32
    scf.if %cond3A_49 {
      %dma_wait3A = arith.constant 78 : i32
      %dma_wait3A_55 = arith.constant 0 : i32
      %dma_wait3A_56 = arith.constant 0 : i32
      %dma_wait3A_57 = arith.constant 0 : i32
      %dma_wait3A_58 = tpu.memref_slice %arg8[%dma_wait3A_55, %dma_wait3A_56, %dma_wait3A_57] : memref<2x128x80xf32, #tpu.memory_space<vmem>> -> memref<1x128x80xf32, #tpu.memory_space<vmem>>
      %dma_wait3A_59 = tpu.memref_squeeze %dma_wait3A_58 : memref<1x128x80xf32, #tpu.memory_space<vmem>> -> memref<128x80xf32, #tpu.memory_space<vmem>>
      %dma_wait3A_60 = arith.constant 0 : i32
      %dma_wait3A_61 = tpu.memref_slice %arg6[%dma_wait3A, %dma_wait3A_60] : memref<79x128xi32, #tpu.memory_space<vmem>> -> memref<1x128xi32, #tpu.memory_space<vmem>>
      %dma_wait3A_62 = tpu.memref_squeeze %dma_wait3A_61 : memref<1x128xi32, #tpu.memory_space<vmem>> -> memref<128xi32, #tpu.memory_space<vmem>>
      %dma_wait3A_63 = arith.constant 0 : i32
      %dma_wait3A_64 = arith.constant 0 : i32
      %dma_wait3A_65 = tpu.memref_slice %arg2[%dma_wait3A_63, %dma_wait3A_64] : memref<10000x80xf32, #tpu.memory_space<hbm>> -> memref<10000x80xf32, #tpu.memory_space<hbm>>
      tpu.wait_indirect_dma semaphore(%arg10 : memref<!tpu.dma_semaphore, #tpu.memory_space<semaphore_mem>>) src(%dma_wait3A_65 : memref<10000x80xf32, #tpu.memory_space<hbm>>) dst(%dma_wait3A_59 : memref<128x80xf32, #tpu.memory_space<vmem>>)
      %dma_start3A_66 = arith.constant 0 : i32
      %dma_start3A_67 = arith.constant 78 : i32
      %dma_start3A_68 = arith.constant 0 : i32
      %dma_start3A_69 = arith.constant 0 : i32
      %dma_start3A_70 = tpu.memref_slice %arg8[%dma_start3A_66, %dma_start3A_68, %dma_start3A_69] : memref<2x128x80xf32, #tpu.memory_space<vmem>> -> memref<1x128x80xf32, #tpu.memory_space<vmem>>
      %dma_start3A_71 = tpu.memref_squeeze %dma_start3A_70 : memref<1x128x80xf32, #tpu.memory_space<vmem>> -> memref<128x80xf32, #tpu.memory_space<vmem>>
      %dma_start3A_72 = arith.constant 0 : i32
      %dma_start3A_73 = tpu.memref_slice %arg7[%dma_start3A_67, %dma_start3A_72] : memref<79x128xi32, #tpu.memory_space<vmem>> -> memref<1x128xi32, #tpu.memory_space<vmem>>
      %dma_start3A_74 = tpu.memref_squeeze %dma_start3A_73 : memref<1x128xi32, #tpu.memory_space<vmem>> -> memref<128xi32, #tpu.memory_space<vmem>>
      %dma_start3A_75 = arith.constant 0 : i32
      %dma_start3A_76 = arith.constant 0 : i32
      %dma_start3A_77 = tpu.memref_slice %arg9[%dma_start3A_75, %dma_start3A_76] : memref<10000x80xf32, #tpu.memory_space<vmem_shared>> -> memref<10000x80xf32, #tpu.memory_space<vmem_shared>>
      tpu.enqueue_indirect_dma source(%dma_start3A_71 : memref<128x80xf32, #tpu.memory_space<vmem>>) target(%dma_start3A_77 : memref<10000x80xf32, #tpu.memory_space<vmem_shared>>) offsets(%dma_start3A_74 : memref<128xi32, #tpu.memory_space<vmem>>) semaphore(%arg12 : memref<!tpu.dma_semaphore, #tpu.memory_space<semaphore_mem>>) {add = true}
      %dma_wait3A_78 = arith.constant 0 : i32
      %dma_wait3A_79 = arith.constant 78 : i32
      %dma_wait3A_80 = arith.constant 0 : i32
      %dma_wait3A_81 = arith.constant 0 : i32
      %dma_wait3A_82 = tpu.memref_slice %arg8[%dma_wait3A_78, %dma_wait3A_80, %dma_wait3A_81] : memref<2x128x80xf32, #tpu.memory_space<vmem>> -> memref<1x128x80xf32, #tpu.memory_space<vmem>>
      %dma_wait3A_83 = tpu.memref_squeeze %dma_wait3A_82 : memref<1x128x80xf32, #tpu.memory_space<vmem>> -> memref<128x80xf32, #tpu.memory_space<vmem>>
      %dma_wait3A_84 = arith.constant 0 : i32
      %dma_wait3A_85 = tpu.memref_slice %arg7[%dma_wait3A_79, %dma_wait3A_84] : memref<79x128xi32, #tpu.memory_space<vmem>> -> memref<1x128xi32, #tpu.memory_space<vmem>>
      %dma_wait3A_86 = tpu.memref_squeeze %dma_wait3A_85 : memref<1x128xi32, #tpu.memory_space<vmem>> -> memref<128xi32, #tpu.memory_space<vmem>>
      %dma_wait3A_87 = arith.constant 0 : i32
      %dma_wait3A_88 = arith.constant 0 : i32
      %dma_wait3A_89 = tpu.memref_slice %arg9[%dma_wait3A_87, %dma_wait3A_88] : memref<10000x80xf32, #tpu.memory_space<vmem_shared>> -> memref<10000x80xf32, #tpu.memory_space<vmem_shared>>
      tpu.wait_indirect_dma semaphore(%arg12 : memref<!tpu.dma_semaphore, #tpu.memory_space<semaphore_mem>>) src(%dma_wait3A_83 : memref<128x80xf32, #tpu.memory_space<vmem>>) dst(%dma_wait3A_89 : memref<10000x80xf32, #tpu.memory_space<vmem_shared>>)
    } else {
    }
    "tpu.trace_stop"() : () -> ()
    %barrier3A_50 = arith.constant 0 : index
    tpu.barrier barrier_id(%barrier3A_50)
    "tpu.trace_start"() <{level = 10 : i32, message = "publish"}> : () -> ()
    %mul3A_51 = arith.constant 625 : i32
    %mul3A_52 = arith.muli %arg1, %mul3A_51 : i32
    %mul3A_53 = arith.constant 625 : i32
    %mul3A_54 = arith.muli %arg1, %mul3A_53 : i32
    "tpu.region"() ({
      %run_scoped3A = tpu.sem_alloc : memref<!tpu.dma_semaphore, #tpu.memory_space<semaphore_mem>>
      %dma_start3A_55 = arith.constant 0 : i32
      %dma_start3A_56 = arith.constant 0 : i32
      %dma_start3A_57 = tpu.memref_slice %arg5[%arg0, %dma_start3A_55, %dma_start3A_56] : memref<2x10000x80xf32, #tpu.memory_space<hbm>> -> memref<1x10000x80xf32, #tpu.memory_space<hbm>>
      %dma_start3A_58 = tpu.memref_squeeze %dma_start3A_57 : memref<1x10000x80xf32, #tpu.memory_space<hbm>> -> memref<10000x80xf32, #tpu.memory_space<hbm>>
      %dma_start3A_59 = arith.constant 0 : i32
      %dma_start3A_60 = tpu.memref_slice %dma_start3A_58[%mul3A_54, %dma_start3A_59] : memref<10000x80xf32, #tpu.memory_space<hbm>> -> memref<625x80xf32, #tpu.memory_space<hbm>>
      %dma_start3A_61 = arith.constant 0 : i32
      %dma_start3A_62 = tpu.memref_slice %arg9[%mul3A_52, %dma_start3A_61] : memref<10000x80xf32, #tpu.memory_space<vmem_shared>> -> memref<625x80xf32, #tpu.memory_space<vmem_shared>>
      tpu.enqueue_dma source(%dma_start3A_62 : memref<625x80xf32, #tpu.memory_space<vmem_shared>>) target(%dma_start3A_60 : memref<625x80xf32, #tpu.memory_space<hbm>>) target_semaphore(%run_scoped3A : memref<!tpu.dma_semaphore, #tpu.memory_space<semaphore_mem>>)
      %dma_wait3A = arith.constant 0 : i32
      %dma_wait3A_63 = arith.constant 0 : i32
      %dma_wait3A_64 = tpu.memref_slice %arg5[%arg0, %dma_wait3A, %dma_wait3A_63] : memref<2x10000x80xf32, #tpu.memory_space<hbm>> -> memref<1x10000x80xf32, #tpu.memory_space<hbm>>
      %dma_wait3A_65 = tpu.memref_squeeze %dma_wait3A_64 : memref<1x10000x80xf32, #tpu.memory_space<hbm>> -> memref<10000x80xf32, #tpu.memory_space<hbm>>
      %dma_wait3A_66 = arith.constant 0 : i32
      %dma_wait3A_67 = tpu.memref_slice %dma_wait3A_65[%mul3A_54, %dma_wait3A_66] : memref<10000x80xf32, #tpu.memory_space<hbm>> -> memref<625x80xf32, #tpu.memory_space<hbm>>
      %dma_wait3A_68 = arith.constant 0 : i32
      %dma_wait3A_69 = tpu.memref_slice %arg9[%mul3A_52, %dma_wait3A_68] : memref<10000x80xf32, #tpu.memory_space<vmem_shared>> -> memref<625x80xf32, #tpu.memory_space<vmem_shared>>
      tpu.wait_dma2 semaphore(%run_scoped3A : memref<!tpu.dma_semaphore, #tpu.memory_space<semaphore_mem>>) src(%dma_wait3A_69 : memref<625x80xf32, #tpu.memory_space<vmem_shared>>) dst(%dma_wait3A_67 : memref<625x80xf32, #tpu.memory_space<hbm>>)
      tpu.yield
    }) : () -> ()
    "tpu.trace_stop"() : () -> ()
    return
  }
}

module attributes {stable_mosaic.version = 14 : i64} {
  func.func @_proj_body(%arg0: i32, %arg1: memref<2000x128xf32, #tpu.memory_space<vmem>>, %arg2: memref<128x80xf32, #tpu.memory_space<vmem>>, %arg3: memref<1x80xf32, #tpu.memory_space<vmem>>, %arg4: memref<2000x80xf32, #tpu.memory_space<vmem>>) attributes {dimension_semantics = [#tpu.dimension_semantics<arbitrary>], iteration_bounds = array<i64: 5>, scalar_prefetch = 0 : i64, scratch_operands = 0 : i64, tpu.core_type = #tpu.core_type<tc>, window_params = [{transform_indices = @transform_0, window_bounds = array<i64: 2000, 128>}, {pipeline_mode = #tpu.pipeline_mode<synchronous>, transform_indices = @transform_1, window_bounds = array<i64: 128, 80>}, {pipeline_mode = #tpu.pipeline_mode<synchronous>, transform_indices = @transform_2, window_bounds = array<i64: 1, 80>}, {transform_indices = @transform_3, window_bounds = array<i64: 2000, 80>}]} {
    %get3A = arith.constant 0 : index
    %get3A_0 = arith.constant 0 : index
    %get3A_1 = vector.load %arg1[%get3A, %get3A_0] : memref<2000x128xf32, #tpu.memory_space<vmem>>, vector<2000x128xf32>
    %get3A_2 = arith.constant 0 : index
    %get3A_3 = arith.constant 0 : index
    %get3A_4 = vector.load %arg2[%get3A_2, %get3A_3] : memref<128x80xf32, #tpu.memory_space<vmem>>, vector<128x80xf32>
    %dot_general3A = arith.constant dense<0.000000e+00> : vector<2000x80xf32>
    %dot_general3A_5 = tpu.matmul %get3A_1, %get3A_4, %dot_general3A {dimension_numbers = #tpu.dot_dimension_numbers<[1], [0], [0], [1], [0, 0, 1, 1], [], []>, transpose_lhs_hint = false} : vector<2000x128xf32>, vector<128x80xf32>, vector<2000x80xf32> -> vector<2000x80xf32>
    %get3A_6 = arith.constant 0 : index
    %get3A_7 = arith.constant 0 : index
    %get3A_8 = vector.load %arg3[%get3A_6, %get3A_7] : memref<1x80xf32, #tpu.memory_space<vmem>>, vector<1x80xf32>
    %add3A = vector.broadcast %get3A_8 : vector<1x80xf32> to vector<2000x80xf32>
    %add3A_9 = arith.addf %dot_general3A_5, %add3A : vector<2000x80xf32>
    %swap3A = arith.constant 0 : index
    %swap3A_10 = arith.constant 0 : index
    %swap3A_11 = vector.load %arg4[%swap3A, %swap3A_10] : memref<2000x80xf32, #tpu.memory_space<vmem>>, vector<2000x80xf32>
    tpu.vector_store %arg4[%swap3A, %swap3A_10], %add3A_9 {strides = array<i32>} : memref<2000x80xf32, #tpu.memory_space<vmem>>, vector<2000x80xf32>,
    return
  }
  func.func @transform_0(%arg0: i32) -> (i32, i32) {
    %c0_i32 = arith.constant 0 : i32
    %c0_i32_0 = arith.constant 0 : i32
    return %arg0, %c0_i32 : i32, i32
  }
  func.func @transform_1(%arg0: i32) -> (i32, i32) {
    %c0_i32 = arith.constant 0 : i32
    %c0_i32_0 = arith.constant 0 : i32
    %c0_i32_1 = arith.constant 0 : i32
    return %c0_i32, %c0_i32_0 : i32, i32
  }
  func.func @transform_2(%arg0: i32) -> (i32, i32) {
    %c0_i32 = arith.constant 0 : i32
    %c0_i32_0 = arith.constant 0 : i32
    %c0_i32_1 = arith.constant 0 : i32
    return %c0_i32, %c0_i32_0 : i32, i32
  }
  func.func @transform_3(%arg0: i32) -> (i32, i32) {
    %c0_i32 = arith.constant 0 : i32
    %c0_i32_0 = arith.constant 0 : i32
    return %arg0, %c0_i32 : i32, i32
  }
}

module attributes {stable_mosaic.version = 14 : i64} {
  func.func @_finish_body(%arg0: i32, %arg1: memref<2x2000x80xf32, #tpu.memory_space<vmem>>, %arg2: memref<1x80xf32, #tpu.memory_space<vmem>>, %arg3: memref<1x80xf32, #tpu.memory_space<vmem>>, %arg4: memref<80x2xf32, #tpu.memory_space<vmem>>, %arg5: memref<1x2xf32, #tpu.memory_space<vmem>>, %arg6: memref<2000x2xf32, #tpu.memory_space<vmem>>) attributes {dimension_semantics = [#tpu.dimension_semantics<arbitrary>], iteration_bounds = array<i64: 5>, scalar_prefetch = 0 : i64, scratch_operands = 0 : i64, tpu.core_type = #tpu.core_type<tc>, window_params = [{transform_indices = @transform_0, window_bounds = array<i64: 2, 2000, 80>}, {pipeline_mode = #tpu.pipeline_mode<synchronous>, transform_indices = @transform_1, window_bounds = array<i64: 1, 80>}, {pipeline_mode = #tpu.pipeline_mode<synchronous>, transform_indices = @transform_2, window_bounds = array<i64: 1, 80>}, {pipeline_mode = #tpu.pipeline_mode<synchronous>, transform_indices = @transform_3, window_bounds = array<i64: 80, 2>}, {pipeline_mode = #tpu.pipeline_mode<synchronous>, transform_indices = @transform_4, window_bounds = array<i64: 1, 2>}, {transform_indices = @transform_5, window_bounds = array<i64: 2000, 2>}]} {
    %get3A = arith.constant 0 : index
    %get3A_0 = arith.constant 0 : index
    %get3A_1 = arith.constant 0 : index
    %get3A_2 = vector.load %arg1[%get3A, %get3A_0, %get3A_1] : memref<2x2000x80xf32, #tpu.memory_space<vmem>>, vector<1x2000x80xf32>
    %get3A_3 = vector.shape_cast %get3A_2 : vector<1x2000x80xf32> to vector<2000x80xf32>
    %get3A_4 = arith.constant 1 : index
    %get3A_5 = arith.constant 0 : index
    %get3A_6 = arith.constant 0 : index
    %get3A_7 = vector.load %arg1[%get3A_4, %get3A_5, %get3A_6] : memref<2x2000x80xf32, #tpu.memory_space<vmem>>, vector<1x2000x80xf32>
    %get3A_8 = vector.shape_cast %get3A_7 : vector<1x2000x80xf32> to vector<2000x80xf32>
    %add3A = arith.addf %get3A_3, %get3A_8 : vector<2000x80xf32>
    %get3A_9 = arith.constant 0 : index
    %get3A_10 = arith.constant 0 : index
    %get3A_11 = vector.load %arg2[%get3A_9, %get3A_10] : memref<1x80xf32, #tpu.memory_space<vmem>>, vector<1x80xf32>
    %mul3A = vector.broadcast %get3A_11 : vector<1x80xf32> to vector<2000x80xf32>
    %mul3A_12 = arith.mulf %add3A, %mul3A : vector<2000x80xf32>
    %reduce_sum3A = arith.constant dense<0.000000e+00> : vector<2000xf32>
    %reduce_sum3A_13 = vector.multi_reduction <add>, %mul3A_12, %reduce_sum3A [1] : vector<2000x80xf32> to vector<2000xf32>
    %broadcast_in_dim3A = vector.shape_cast %reduce_sum3A_13 : vector<2000xf32> to vector<2000x1xf32>
    %max3A = arith.constant 1.000000e+00 : f32
    %max3A_14 = vector.broadcast %max3A : f32 to vector<2000x1xf32>
    %max3A_15 = arith.maximumf %broadcast_in_dim3A, %max3A_14 : vector<2000x1xf32>
    %div3A = arith.constant 1.000000e+00 : f32
    %div3A_16 = vector.broadcast %div3A : f32 to vector<2000x1xf32>
    %div3A_17 = arith.divf %div3A_16, %max3A_15 : vector<2000x1xf32>
    %mul3A_18 = vector.broadcast %div3A_17 : vector<2000x1xf32> to vector<2000x80xf32>
    %mul3A_19 = arith.mulf %add3A, %mul3A_18 : vector<2000x80xf32>
    %get3A_20 = arith.constant 0 : index
    %get3A_21 = arith.constant 0 : index
    %get3A_22 = vector.load %arg3[%get3A_20, %get3A_21] : memref<1x80xf32, #tpu.memory_space<vmem>>, vector<1x80xf32>
    %add3A_23 = vector.broadcast %get3A_22 : vector<1x80xf32> to vector<2000x80xf32>
    %add3A_24 = arith.addf %mul3A_19, %add3A_23 : vector<2000x80xf32>
    %max3A_25 = arith.constant 0.000000e+00 : f32
    %max3A_26 = vector.broadcast %max3A_25 : f32 to vector<2000x80xf32>
    %max3A_27 = arith.maximumf %add3A_24, %max3A_26 : vector<2000x80xf32>
    %get3A_28 = arith.constant 0 : index
    %get3A_29 = arith.constant 0 : index
    %get3A_30 = vector.load %arg4[%get3A_28, %get3A_29] : memref<80x2xf32, #tpu.memory_space<vmem>>, vector<80x2xf32>
    %dot_general3A = arith.constant dense<0.000000e+00> : vector<2000x2xf32>
    %dot_general3A_31 = tpu.matmul %max3A_27, %get3A_30, %dot_general3A {dimension_numbers = #tpu.dot_dimension_numbers<[1], [0], [0], [1], [0, 0, 1, 1], [], []>, transpose_lhs_hint = false} : vector<2000x80xf32>, vector<80x2xf32>, vector<2000x2xf32> -> vector<2000x2xf32>
    %get3A_32 = arith.constant 0 : index
    %get3A_33 = arith.constant 0 : index
    %get3A_34 = vector.load %arg5[%get3A_32, %get3A_33] : memref<1x2xf32, #tpu.memory_space<vmem>>, vector<1x2xf32>
    %add3A_35 = vector.broadcast %get3A_34 : vector<1x2xf32> to vector<2000x2xf32>
    %add3A_36 = arith.addf %dot_general3A_31, %add3A_35 : vector<2000x2xf32>
    %swap3A = arith.constant 0 : index
    %swap3A_37 = arith.constant 0 : index
    %swap3A_38 = vector.load %arg6[%swap3A, %swap3A_37] : memref<2000x2xf32, #tpu.memory_space<vmem>>, vector<2000x2xf32>
    tpu.vector_store %arg6[%swap3A, %swap3A_37], %add3A_36 {strides = array<i32>} : memref<2000x2xf32, #tpu.memory_space<vmem>>, vector<2000x2xf32>,
    return
  }
  func.func @transform_0(%arg0: i32) -> (i32, i32, i32) {
    %c0_i32 = arith.constant 0 : i32
    %c0_i32_0 = arith.constant 0 : i32
    %c0_i32_1 = arith.constant 0 : i32
    return %c0_i32, %arg0, %c0_i32_0 : i32, i32, i32
  }
  func.func @transform_1(%arg0: i32) -> (i32, i32) {
    %c0_i32 = arith.constant 0 : i32
    %c0_i32_0 = arith.constant 0 : i32
    %c0_i32_1 = arith.constant 0 : i32
    return %c0_i32, %c0_i32_0 : i32, i32
  }
  func.func @transform_2(%arg0: i32) -> (i32, i32) {
    %c0_i32 = arith.constant 0 : i32
    %c0_i32_0 = arith.constant 0 : i32
    %c0_i32_1 = arith.constant 0 : i32
    return %c0_i32, %c0_i32_0 : i32, i32
  }
  func.func @transform_3(%arg0: i32) -> (i32, i32) {
    %c0_i32 = arith.constant 0 : i32
    %c0_i32_0 = arith.constant 0 : i32
    %c0_i32_1 = arith.constant 0 : i32
    return %c0_i32, %c0_i32_0 : i32, i32
  }
  func.func @transform_4(%arg0: i32) -> (i32, i32) {
    %c0_i32 = arith.constant 0 : i32
    %c0_i32_0 = arith.constant 0 : i32
    %c0_i32_1 = arith.constant 0 : i32
    return %c0_i32, %c0_i32_0 : i32, i32
  }
  func.func @transform_5(%arg0: i32) -> (i32, i32) {
    %c0_i32 = arith.constant 0 : i32
    %c0_i32_0 = arith.constant 0 : i32
    return %arg0, %c0_i32 : i32, i32
  }
}

</mosaic_0001>

<sc_bundles>
// kernel: kernel.5.cloned.1.call-start
scs
__scs_entry_jumppad:
0x0: {  	(pc) =	sbr.rel $0x88, $3  }
0x1: {  	(tag) =	ssettag $0x0;
	lr =	simm.s32 $0x1  }
0x2: {  	[smem:$0x3F9B] =	sst lr;
	_ =	strace $0xD0000000  }
0x3: {  	_ = 	snop  }
0x4: {  	_ = 	snop  }
0x5: {  	_ = 	snop  }
0x6: {  	_ = 	snop  }
0x7: {  	_ = 	snop  }
__scs_overlays_trampoline_lowered:
0x8: {  	[smem:$0x3FAA] =	sst s0  }
0x9: {  	[smem:$0x3FAB] =	sst s1  }
0xa: {  	[smem:$0x3FAC] =	sst s2  }
0xb: {  	[smem:$0x3FAD] =	sst s3  }
0xc: {  	[smem:$0x3FAE] =	sst s4  }
0xd: {  	[smem:$0x3FAF] =	sst s5  }
0xe: {  	[smem:$0x3FB0] =	sst s6  }
0xf: {  	[smem:$0x3FB1] =	sst s7  }
0x10: {  	[smem:$0x3FB2] =	sst s8  }
0x11: {  	[smem:$0x3FB3] =	sst s9;
	s0 =	simm.s32 @!p0 $0x0  }
0x12: {  	s1 =	sld [smem:$0x3F99];
	s0 =	simm.s32 @p0 $0x1  }
0x13: {  	[smem:$0x3FB4] =	sst s0;
	s0 =	simm.s32 @!p1 $0x0  }
0x14: {  	s2 =	sld [smem:$0x3F98];
	s0 =	simm.s32 @p1 $0x1  }
0x15: {  	[smem:$0x3FB5] =	sst s0;
	s0 =	simm.s32 @!p2 $0x0  }
0x16: {  	s3 =	sld [smem:$0x3FDB];
	s0 =	simm.s32 @p2 $0x1  }
0x17: {  	s4 =	simm.s32 $0x1BF5;
	[smem:$0x3FB7] =	sst s0  }
0x18: {  	s0 =	sld [smem:$0x3F9A];
	_ =	swait.ge [sflag:s4], $0x0  }
0x19: {  	s7 =	sld [smem:$0x3F9B]  }
0x1a: {  	s8 =	sadd.s32 $0xFFFFE003, lr  }
0x1b: {  	s9 =	sadd.s32 $0xFFFFFEF7, lr;
	s5 =	simm.s32 $0xFFFFFFFF;
	p2 =	slt.u32 s8, $0xFFFFF086  }
0x1c: {  	p1 =	slt.u32 s9, $0xF7A;
	s5 =	simm.s32 @!p2 $0x0  }
0x1d: {  	s5 =	simm.s32 @p1 $0x1;
	p0 =	seq.s32 s7, s2  }
0x1e: {  	s7 =	smul.u32 @!p0 $0xF7A, s2;
	p2 =	seq.s32 @!p0 s5, $0x0  }
0x1f: {  	s9 =	smul.u32 $0xF7A, s1;
	s8 =	simm.s32 @!p0 $0x1BF5;
	p2 =	por !p2, p0  }
0x20: {  	[sflag:s8] =	ssyncset.s32 @!p0 $0xFFFFF086;
	s6 =	sadd.s32 @!p0 s3, s7;
	s7 =	simm.s32 @!p0 $0x108  }
0x21: {  	s3 =	sadd.s32 s3, s9;
	s6 =	sadd.s32 @!p0 $0x88, s6;
	s7 =	simm.s32 @p2 $0x1082  }
0x22: {  	[simem:s7], [sflag:s8] =	dma.local @!p0 [hbm:s6], $0xF7A  }
0x23: {  	s9 =	sor.u32 $0xD0000000, s2;
	s6 =	simm.s32 $0x108;
	_ =	swait.ge @!p0 [sflag:s8], $0x0  }
0x24: {  	s3 =	sadd.s32 $0x88, s3;
	s6 =	simm.s32 @!p1 $0x1082;
	[sflag:s4] =	ssyncset.s32 $0xFFFFF086  }
0x25: {  	[simem:s6], [sflag:s4] =	dma.local [hbm:s3], $0xF7A  }
0x26: {  	[smem:$0x3F9B] =	sst s1;
	(tag) =	ssettag s2;
	_ =	strace s9  }
0x27: {  	s1 =	sld [smem:$0x3FAB]  }
0x28: {  	s2 =	sld [smem:$0x3FAC]  }
0x29: {  	s4 =	sld [smem:$0x3FAE]  }
0x2a: {  	p0 =	seq.s32 s5, $0x0;
	s5 =	sld [smem:$0x3FAF]  }
0x2b: {  	s6 =	sld [smem:$0x3FB0]  }
0x2c: {  	s7 =	sld [smem:$0x3FB1]  }
0x2d: {  	s3 =	simm.s32 $0x108;
	s8 =	sld [smem:$0x3FB2]  }
0x2e: {  	s3 =	simm.s32 @!p0 $0x1082;
	s9 =	sld [smem:$0x3FB3]  }
0x2f: {  	lr =	sadd.s32 s0, s3;
	s0 =	sld [smem:$0x3FAA]  }
0x30: {  	s3 =	sld [smem:$0x3FAD]  }
0x31: {  	[smem:$0x3FB6] =	sst s10  }
0x32: {  	s10 =	sld [smem:$0x3FB4];
	_ =	sdelay $0x3  }
0x33: {  	p0 =	seq.s32 s10, $0x1;
	s10 =	sld [smem:$0x3FB6];
	_ =	sdelay $0x3  }
0x34: {  	[smem:$0x3FB6] =	sst s10  }
0x35: {  	s10 =	sld [smem:$0x3FB5];
	_ =	sdelay $0x3  }
0x36: {  	p1 =	seq.s32 s10, $0x1;
	s10 =	sld [smem:$0x3FB6];
	_ =	sdelay $0x3  }
0x37: {  	[smem:$0x3FB6] =	sst s10  }
0x38: {  	s10 =	sld [smem:$0x3FB7]  }
0x39: {  	_ = 	snop;
	(pc) =	sbr.ind lr, $3  }
0x3a: {  	_ = 	snop  }
0x3b: {  	_ = 	snop  }
0x3c: {  	p2 =	seq.s32 s10, $0x1;
	s10 =	sld [smem:$0x3FB6]  }
0x3d: {  	_ =	shalt  }
0x3e: {  	_ =	shalt  }
0x3f: {  	_ =	shalt  }
0x40: {  	_ =	shalt  }
0x41: {  	_ =	shalt  }
0x42: {  	_ =	shalt  }
0x43: {  	_ =	shalt  }
0x44: {  	_ =	shalt  }
0x45: {  	_ =	shalt  }
0x46: {  	_ =	shalt  }
0x47: {  	_ =	shalt  }
0x48: {  	_ =	shalt  }
0x49: {  	_ =	shalt  }
0x4a: {  	_ =	shalt  }
0x4b: {  	_ =	shalt  }
0x4c: {  	_ =	shalt  }
0x4d: {  	_ =	shalt  }
0x4e: {  	_ =	shalt  }
0x4f: {  	_ =	shalt  }
0x50: {  	_ =	shalt  }
0x51: {  	_ =	shalt  }
0x52: {  	_ =	shalt  }
0x53: {  	_ =	shalt  }
0x54: {  	_ =	shalt  }
0x55: {  	_ =	shalt  }
0x56: {  	_ =	shalt  }
0x57: {  	_ =	shalt  }
0x58: {  	_ =	shalt  }
0x59: {  	_ =	shalt  }
0x5a: {  	_ =	shalt  }
0x5b: {  	_ =	shalt  }
0x5c: {  	_ =	shalt  }
0x5d: {  	_ =	shalt  }
0x5e: {  	_ =	shalt  }
0x5f: {  	_ =	shalt  }
0x60: {  	_ =	shalt  }
0x61: {  	_ =	shalt  }
0x62: {  	_ =	shalt  }
0x63: {  	_ =	shalt  }
0x64: {  	_ =	shalt  }
0x65: {  	_ =	shalt  }
0x66: {  	_ =	shalt  }
0x67: {  	_ =	shalt  }
0x68: {  	_ =	shalt  }
0x69: {  	_ =	shalt  }
0x6a: {  	_ =	shalt  }
0x6b: {  	_ =	shalt  }
0x6c: {  	_ =	shalt  }
0x6d: {  	_ =	shalt  }
0x6e: {  	_ =	shalt  }
0x6f: {  	_ =	shalt  }
0x70: {  	_ =	shalt  }
0x71: {  	_ =	shalt  }
0x72: {  	_ =	shalt  }
0x73: {  	_ =	shalt  }
0x74: {  	_ =	shalt  }
0x75: {  	_ =	shalt  }
0x76: {  	_ =	shalt  }
0x77: {  	_ =	shalt  }
0x78: {  	_ =	shalt  }
0x79: {  	_ =	shalt  }
0x7a: {  	_ =	shalt  }
0x7b: {  	_ =	shalt  }
0x7c: {  	_ =	shalt  }
0x7d: {  	_ =	shalt  }
0x7e: {  	_ =	shalt  }
0x7f: {  	_ =	shalt  }
0x80: {  	_ =	shalt  }
0x81: {  	_ =	shalt  }
0x82: {  	_ =	shalt  }
0x83: {  	_ =	shalt  }
0x84: {  	_ =	shalt  }
0x85: {  	_ =	shalt  }
0x86: {  	_ =	shalt  }
0x87: {  	_ =	shalt  }
.Lfunc_end0:
.L_simem_size_0:
called_computation_lowered:
.L_overlay_start_0:
0x88: {  	s2 =	sld [smem:$0x3FD9]  }
0x89: {  	s3 =	sld [smem:$0x3FFE];
	_ =	sdelay $0x1  }
0x8a: {  	s1 =	srdreg.scid  }
0x8b: {  	s0 =	sand.u32 $0x1, s1  }
0x8c: {  	s16 =	sshll.u32 s0, $0xA;
	s2 =	sadd.s32 s3, s2  }
0x8d: {  	s2 =	sadd.s32 s2, s16  }
0x8e: {  	[smem:$0x3FC2] =	sst s2  }
0x8f: {  	_ = 	snop  }
0x90: {  	(tm) =	ssettm $0x1  }
0x91: {  	s17 =	sld [smem:$0x3FFB];
	_ =	sdelay $0x3  }
0x92: {  	_ =	strace s17  }
0x93: {  	s2 =	sld [smem:$0x3FFC];
	_ =	sdelay $0x3  }
0x94: {  	_ =	strace s2  }
0x95: {  	s2 =	sld [smem:$0x3FFD];
	_ =	sdelay $0x3  }
0x96: {  	_ =	strace s2  }
0x97: {  	_ =	strace $0x8FFFFFFF  }
0x98: {  	s18 =	sld [smem:$0x3FDB];
	_ =	sdelay $0x1  }
0x99: {  	s19 =	simm.s32 $_scs_section_size  }
0x9a: {  	s4 =	simm.s32 $_size__tile_overlayer_lowered;
	s5 =	simm.s32 $_tile_overlayer_lowered  }
0x9b: {  	s22 =	simm.s32 $0x1BFF;
	s21 =	sshll.u32 s5, $0x1;
	s2 =	sadd.s32 s19, s18  }
0x9c: {  	s6 =	simm.s32 $0x0;
	s20 =	sshll.u32 s4, $0x1;
	s4 =	sadd.s32 s21, s2  }
0x9d: {  	[timem:s6], [sflag:s22] =	dma.local [hbm:s4], s20  }
0x9e: {  	_ =	swait.ge [sflag:s22], s20  }
0x9f: {  	s3 =	ssub.s32 $0x0, s20;
	[sflag:s22] =	ssyncset.done $0x0  }
0xa0: {  	[sflag:s22] =	ssyncadd.s32 s3;
	_ =	sdelay $0x1  }
0xa1: {  	s23 =	simm.s32 $0x1B8B  }
0xa2: {  	_ =	swait.ge [sflag:s23], $0x1  }
0xa3: {  	[sflag:s23] =	ssyncset.done $0x0  }
0xa4: {  	s25 =	simm.s32 $0x1B8E;
	s24 =	sld [smem:$0x3FFE];
	[sflag:s23] =	ssyncadd.s32 $0xFFFFFFFF  }
0xa5: {  	s26 =	simm.s32 $execute0_lowered;
	[smem:$0x3FD2] =	sst s25  }
0xa6: {  	s4 =	sshll.u32 s26, $0x1;
	_ =	strace $0x80000046;
	[dreg:$0x1] =	wrdreg $0xFFFFFFFF  }
0xa7: {  	s28 =	simm.s32 $_size_execute0_lowered;
	s2 =	sadd.s32 s2, s4;
	[dreg:$0x0] =	wrdreg $0x0  }
0xa8: {  	s4 =	sshll.u32 s28, $0x1;
	[dreg:$0x2] =	wrdreg s2  }
0xa9: {  	[dreg:$0x3] =	wrdreg s4  }
0xaa: {  	[dreg:$0x4] =	wrdreg $0xC0  }
0xab: {  	_ =	task [dreg:s6], $0x5FFFF  }
0xac: {  	[dreg:$0x1] =	wrdreg $0xFFFFFFFF  }
0xad: {  	[dreg:$0x0] =	wrdreg $0x60  }
0xae: {  	[dreg:$0x2] =	wrdreg s24  }
0xaf: {  	[dreg:$0x3] =	wrdreg $0x9F000  }
0xb0: {  	[dreg:$0x4] =	wrdreg $0x9  }
0xb1: {  	_ =	task.clear_ibuf [dreg:s6], $0x5FFFF;
	_ =	strace $0x90000046  }
0xb2: {  	s29 =	simm.s32 $0x9;
	_ =	strace $0x8000004B  }
0xb3: {  	_ =	swait.ge [sflag:s29], $0x1  }
0xb4: {  	[sflag:s29] =	ssyncadd.s32 $0xFFFFFFFF  }
0xb5: {  	_ =	strace $0x9000004B  }
0xb6: {  	_ =	sfence  }
0xb7: {  	s30 =	sld [smem:$0x0];
	_ =	sdelay $0x2  }
0xb8: {  	s31 =	sshll.u32 s1, $0xD;
	s1 =	sshrl.u32 s1, $0x2  }
0xb9: {  	s3 =	sand.u32 $0x4000, s31;
	s1 =	sadd.s32 s1, s30  }
0xba: {  	s0 =	sor.u32 s3, s0;
	s1 =	sshll.u32 s1, $0x11  }
0xbb: {  	s0 =	sor.u32 s1, s0  }
0xbc: {  	s0 =	sadd.s32 $0x8F2B, s0  }
0xbd: {  	[sflag:s0] =	ssyncadd.remote.s32 $0x1  }
0xbe: {  	_ =	sfence.sel $0xFFFF  }
0xbf: {  	[dreg:$0x0] =	wrdreg $0xFFFFFFFF;
	(pc) =	sbr.abs _section_cstart, $3  }
0xc0: {  	[dreg:$0x1] =	wrdreg $0xFFFFFFFF  }
0xc1: {  	_ =	task.clear_ibuf [dreg:s6], $0x2FFFF;
	_ =	strace $0x9FFFFFFF  }
0xc2: {  	(tm) =	ssettm $0x7FFFFFFF  }
0xc3: {  	_ =	shalt  }
tec
execute0_lowered:
.L_overlay_start_1:
0x0: {  	(tag) =	ssettag $0x1  }
0x1: {  	s5 =	rddreg [dreg:$0x0];
	s1 =	srdreg.scid  }
0x2: {  	s0 =	stileid.u32;
	s2 =	rddreg [dreg:$0x1]  }
0x3: {  	s3 =	simm.s32 $0x0;
	s14 =	simm.s32 $0x4F00;
	s15 =	simm.s32 $0x7700  }
0x4: {  	s18 =	simm.s32 $0x1;
	s19 =	simm.s32 $0x3;
	s20 =	simm.s32 $0x2  }
0x5: {  	s21 =	simm.s32 $0x4;
	s6 =	sand.u32 $0x1, s1;
	s1 =	rddreg [dreg:$0x2]  }
0x6: {  	s22 =	simm.s32 $0x4D80;
	s4 =	sshll.u32 s0, $0x1;
	[smem:$0x7FF] =	sst s3  }
0x7: {  	s9 =	smul.u32 $0xC350, s0;
	p0 =	sgt.u32 s0, $0x1;
	s16 =	sshll.u32 s0, $0x6  }
0x8: {  	s4 =	sor.u32 s6, s4;
	_ =	strace $0x80000047;
	s30 =	smul.u32 $0x186A0, s6  }
0x9: {  	s6 =	ssub.s32 $0x2, s6;
	s16 =	sor.u32 $0x1C05, s16;
	s7 =	smul.u32 $0x4E, s4  }
0xa: {  	s8 =	smin.u32 s4, $0x4;
	s4 =	sadd.s32 $0xA00, s5;
	s23 =	sshrl.u32 s9, $0x3  }
0xb: {  	s31 =	sshrl.u32 s6, $0x1;
	s17 =	sadd.s32 s9, s2;
	s11 =	sadd.s32 s23, s5  }
0xc: {  	s12 =	sadd.s32 s30, s5;
	s13 =	ssub.s32 s6, s31;
	s17 =	sshrl.u32 s17, $0x3  }
0xd: {  	s7 =	sadd.s32 s8, s7;
	s9 =	sadd.s32 $0x2CC00, s11;
	s24 =	sadd.s32 $0x45400, s12  }
0xe: {  	s11 =	simm.s32 $0x5;
	s12 =	simm.s32 $0x2780;
	s7 =	sshll.u32 s7, $0x4  }
0xf: {  	s23 =	sadd.s32 s23, s24;
	s24 =	simm.s32 $0x0;
	s10 =	sadd.s32 s7, s5  }
0x10: {  	s5 =	sadd.s32 $0x19200, s10;
	s6 =	sadd.s32 $0x22E40, s10;
	s7 =	sadd.s32 $0x196E0, s10  }
0x11: {  	s8 =	sadd.s32 $0x23320, s10;
	s10 =	smax.u32 s13, $0x1;
	s13 =	simm.s32 $0x80  }
.LBB2_1:
0x12: {  	_ =	strace $0x80000048  }
0x13: {  	[tilespmem:s3], [sflag:$0x5] =	stream.linear.gather [hbm4b:s5+s3], $0x2700, $0x200038;
	[tilespmem:$0x16250] =	vst v63  }
0x14: {  	_ =	swait.ge [sflag:s11], $0x2700  }
0x15: {  	[sflag:s11] =	ssyncset.done $0x0  }
0x16: {  	[sflag:s11] =	ssyncadd.s32 $0xFFFFD900  }
0x17: {  	[tilespmem:s12], [sflag:$0x5] =	stream.linear.gather [hbm4b:s6+s3], $0x2700, $0x200038;
	[tilespmem:$0x16250] =	vst v63  }
0x18: {  	_ =	swait.ge [sflag:s11], $0x2700  }
0x19: {  	[sflag:s11] =	ssyncset.done $0x0  }
0x1a: {  	s25 =	simm.s32 @!p0 $0x0;
	s26 =	simm.s32 @!p0 $0x2700;
	[sflag:s11] =	ssyncadd.s32 $0xFFFFD900  }
0x1b: {  	[tilespmem:s26], [sflag:$0x5] =	stream.linear.gather @!p0 [hbm4b:s7+s25], $0x80, $0x200038;
	[tilespmem:$0x16250] =	vst v63  }
0x1c: {  	s26 =	simm.s32 @!p0 $0x5  }
0x1d: {  	_ =	swait.ge @!p0 [sflag:s26], $0x80  }
0x1e: {  	[sflag:s26] =	ssyncset.done @!p0 $0x0  }
0x1f: {  	s28 =	simm.s32 @!p0 $0x4E80;
	[sflag:s26] =	ssyncadd.s32 @!p0 $0xFFFFFF80  }
0x20: {  	[tilespmem:s28], [sflag:$0x5] =	stream.linear.gather @!p0 [hbm4b:s8+s25], $0x80, $0x200038;
	[tilespmem:$0x16250] =	vst v63  }
0x21: {  	_ =	swait.ge @!p0 [sflag:s26], $0x80  }
0x22: {  	[sflag:s26] =	ssyncset.done @!p0 $0x0  }
0x23: {  	[sflag:s26] =	ssyncadd.s32 @!p0 $0xFFFFFF80  }
0x24: {  	[tilespmem:s14], [sflag:$0x1] =	stream.indirect.gather [hbm4b:s4+s13], $0x50, s3, s13, $0x2000b8;
	[tilespmem:$0x16250] =	vst v63  }
0x25: {  	_ = 	snop  }
0x26: {  	[tilespmem:s15], [sflag:$0x2] =	stream.indirect.gather [hbm4b:s4+s13], $0x50, s13, s13, $0x2000b8;
	[tilespmem:$0x16250] =	vst v63  }
0x27: {  	[spmem:s17], [sflag:s16] =	dma.local [hbm:s9], $0x186A  }
0x28: {  	_ =	swait.ge [sflag:s11], $0x186A  }
0x29: {  	[sflag:s11] =	ssyncset.done $0x0  }
0x2a: {  	[sflag:s11] =	ssyncadd.s32 $0xFFFFE796  }
0x2b: {  	[bflag:$0x0] =	sbarrier.arrive $0xFFFF  }
0x2c: {  	_ =	strace $0x90000048  }
0x2d: {  	_ =	strace $0x80000049  }
0x2e: {  	_ =	swait.ge [sflag:s18], $0x2800  }
0x2f: {  	[sflag:s18] =	ssyncset.done $0x0  }
0x30: {  	s29 =	simm.s32 $0x2780;
	[sflag:s18] =	ssyncadd.s32 $0xFFFFD800  }
0x31: {  	[spmem:s2] =	stream.indirect.scatter.add.f32 [tilespmem:s14], [sflag:$0x3], $0x50, s29, s13, $0x2000b8;
	[tilespmem:$0x16250] =	vst v63  }
0x32: {  	_ =	swait.ge [sflag:s19], $0x2800  }
0x33: {  	[sflag:s19] =	ssyncset.done $0x0  }
0x34: {  	s30 =	simm.s32 $0x100;
	[sflag:s19] =	ssyncadd.s32 $0xFFFFD800  }
0x35: {  	[tilespmem:s14], [sflag:$0x1] =	stream.indirect.gather [hbm4b:s4+s13], $0x50, s30, s13, $0x2000b8;
	[tilespmem:$0x16250] =	vst v63  }
0x36: {  	_ =	swait.ge [sflag:s20], $0x2800  }
0x37: {  	[sflag:s20] =	ssyncset.done $0x0  }
0x38: {  	s31 =	simm.s32 $0x2800;
	[sflag:s20] =	ssyncadd.s32 $0xFFFFD800  }
0x39: {  	[spmem:s2] =	stream.indirect.scatter.add.f32 [tilespmem:s15], [sflag:$0x4], $0x50, s31, s13, $0x2000b8;
	[tilespmem:$0x16250] =	vst v63  }
0x3a: {  	_ =	swait.ge [sflag:s21], $0x2800  }
0x3b: {  	[sflag:s21] =	ssyncset.done $0x0  }
0x3c: {  	s25 =	simm.s32 $0x400;
	s26 =	simm.s32 $0x180;
	[sflag:s21] =	ssyncadd.s32 $0xFFFFD800  }
.LBB2_2:
0x3d: {  	[tilespmem:s15], [sflag:$0x2] =	stream.indirect.gather [hbm4b:s4+s13], $0x50, s26, s13, $0x2000b8;
	[tilespmem:$0x16250] =	vst v63  }
0x3e: {  	s26 =	smov.u32 s25  }
0x3f: {  	p1 =	sne.s32 s25, $0x9400;
	s25 =	sadd.s32 $0x400, s25;
	_ =	swait.ge [sflag:s18], $0x2800  }
0x40: {  	s26 =	sshra.s32 s26, $0x2;
	[sflag:s18] =	ssyncset.done $0x0  }
0x41: {  	s28 =	sadd.s32 $0x2780, s26;
	[sflag:s18] =	ssyncadd.s32 $0xFFFFD800  }
0x42: {  	[spmem:s2] =	stream.indirect.scatter.add.f32 [tilespmem:s14], [sflag:$0x3], $0x50, s28, s13, $0x2000b8;
	[tilespmem:$0x16250] =	vst v63  }
0x43: {  	_ =	swait.ge [sflag:s19], $0x2800  }
0x44: {  	[sflag:s19] =	ssyncset.done $0x0  }
0x45: {  	s28 =	sadd.s32 $0x100, s26;
	[sflag:s19] =	ssyncadd.s32 $0xFFFFD800  }
0x46: {  	[tilespmem:s14], [sflag:$0x1] =	stream.indirect.gather [hbm4b:s4+s13], $0x50, s28, s13, $0x2000b8;
	[tilespmem:$0x16250] =	vst v63  }
0x47: {  	_ =	swait.ge [sflag:s20], $0x2800  }
0x48: {  	[sflag:s20] =	ssyncset.done $0x0  }
.Ltmp0:
0x49: {  	s28 =	sadd.s32 $0x2800, s26;
	[sflag:s20] =	ssyncadd.s32 $0xFFFFD800;
	(pc) =	sbr.rel @p1 .LBB2_2-.Ltmp0, $4  }
0x4a: {  	[spmem:s2] =	stream.indirect.scatter.add.f32 [tilespmem:s15], [sflag:$0x4], $0x50, s28, s13, $0x2000b8;
	[tilespmem:$0x16250] =	vst v63  }
0x4b: {  	_ =	swait.ge [sflag:s21], $0x2800  }
0x4c: {  	[sflag:s21] =	ssyncset.done $0x0  }
0x4d: {  	s26 =	sadd.s32 $0x180, s26;
	[sflag:s21] =	ssyncadd.s32 $0xFFFFD800  }
0x4e: {  	[tilespmem:s15], [sflag:$0x2] =	stream.indirect.gather [hbm4b:s4+s13], $0x50, s26, s13, $0x2000b8;
	[tilespmem:$0x16250] =	vst v63  }
0x4f: {  	_ =	swait.ge [sflag:s18], $0x2800  }
0x50: {  	[sflag:s18] =	ssyncset.done $0x0  }
0x51: {  	[sflag:s18] =	ssyncadd.s32 $0xFFFFD800  }
0x52: {  	[spmem:s2] =	stream.indirect.scatter.add.f32 [tilespmem:s14], [sflag:$0x3], $0x50, s22, s13, $0x2000b8;
	[tilespmem:$0x16250] =	vst v63  }
0x53: {  	_ =	swait.ge [sflag:s19], $0x2800  }
0x54: {  	[sflag:s19] =	ssyncset.done $0x0  }
0x55: {  	s25 =	simm.s32 @p0 $0x2;
	[sflag:s19] =	ssyncadd.s32 $0xFFFFD800  }
0x56: {  	_ =	swait.ge @p0 [sflag:s25], $0x2800  }
0x57: {  	s26 =	simm.s32 @p0 $0x4E00;
	[sflag:s25] =	ssyncset.done @p0 $0x0  }
0x58: {  	s28 =	simm.s32 @p0 $0x7700;
	[sflag:s25] =	ssyncadd.s32 @p0 $0xFFFFD800;
	s25 =	simm.s32 @p0 $0x80  }
0x59: {  	[spmem:s2] =	stream.indirect.scatter.add.f32 @p0 [tilespmem:s28], [sflag:$0x4], $0x50, s26, s25, $0x2000b8;
	[tilespmem:$0x16250] =	vst v63  }
0x5a: {  	s25 =	simm.s32 @!p0 $0x80;
	s26 =	simm.s32 @!p0 $0x2700;
	s28 =	simm.s32 @!p0 $0x4F00  }
0x5b: {  	[tilespmem:s28], [sflag:$0x1] =	stream.indirect.gather @!p0 [hbm4b:s4+s25], $0x50, s26, s25, $0x2000b8;
	[tilespmem:$0x16250] =	vst v63  }
0x5c: {  	s26 =	simm.s32 @!p0 $0x2  }
0x5d: {  	_ =	swait.ge @!p0 [sflag:s26], $0x2800  }
0x5e: {  	[sflag:s26] =	ssyncset.done @!p0 $0x0  }
0x5f: {  	s29 =	simm.s32 @!p0 $0x7700;
	[sflag:s26] =	ssyncadd.s32 @!p0 $0xFFFFD800;
	s26 =	simm.s32 @!p0 $0x4E00  }
0x60: {  	[spmem:s2] =	stream.indirect.scatter.add.f32 @!p0 [tilespmem:s29], [sflag:$0x4], $0x50, s26, s25, $0x2000b8;
	[tilespmem:$0x16250] =	vst v63  }
0x61: {  	s26 =	simm.s32 @!p0 $0x4  }
0x62: {  	_ =	swait.ge @!p0 [sflag:s26], $0x2800  }
0x63: {  	[sflag:s26] =	ssyncset.done @!p0 $0x0  }
0x64: {  	[sflag:s26] =	ssyncadd.s32 @!p0 $0xFFFFD800;
	s26 =	simm.s32 @!p0 $0x1  }
0x65: {  	_ =	swait.ge @!p0 [sflag:s26], $0x2800  }
0x66: {  	[sflag:s26] =	ssyncset.done @!p0 $0x0  }
0x67: {  	[sflag:s26] =	ssyncadd.s32 @!p0 $0xFFFFD800;
	s26 =	simm.s32 @!p0 $0x4E80  }
0x68: {  	[spmem:s2] =	stream.indirect.scatter.add.f32 @!p0 [tilespmem:s28], [sflag:$0x3], $0x50, s26, s25, $0x2000b8;
	[tilespmem:$0x16250] =	vst v63  }
0x69: {  	s25 =	simm.s32 @!p0 $0x3  }
0x6a: {  	s25 =	simm.s32 @p0 $0x4  }
0x6b: {  	_ =	swait.ge [sflag:s25], $0x2800  }
0x6c: {  	[sflag:s25] =	ssyncset.done $0x0  }
0x6d: {  	[sflag:s25] =	ssyncadd.s32 $0xFFFFD800  }
0x6e: {  	_ =	strace $0x90000049  }
0x6f: {  	s24 =	sadd.s32 $0x1, s24;
	[bflag:$0x0] =	sbarrier.arrive $0xFFFF  }
0x70: {  	p1 =	sne.s32 s24, s10;
	_ =	strace $0x8000004A  }
0x71: {  	[hbm:s23], [sflag:s16] =	dma.local [spmem:s17], $0x186A  }
.Ltmp1:
0x72: {  	_ = 	snop;
	(pc) =	sbr.rel @p1 .LBB2_1-.Ltmp1, $4  }
0x73: {  	_ =	swait.ge [sflag:s11], $0x186A  }
0x74: {  	[sflag:s11] =	ssyncset.done $0x0  }
0x75: {  	[sflag:s11] =	ssyncadd.s32 $0xFFFFE796  }
0x76: {  	_ =	strace $0x9000004A  }
0x77: {  	_ =	sfence.sel $0x180000  }
0x78: {  	[bflag:$0x0] =	sbarrier.arrive $0xFFFF  }
0x79: {  	p0 =	sne.s32 s0, $0x0;
	_ =	strace $0x90000047  }
0x7a: {  	s0 =	sadd.s32 @!p0 $0x100000, s1;
	[bflag:$0x2] =	sbarrier.arrive $0xFFFF  }
0x7b: {  	[sflag:s0] =	ssyncadd.tile.s32 @!p0 $0x1;
	_ =	shalt  }
.Lfunc_end2:
_tile_overlayer_lowered:
.L_overlay_start_2:
0x7c: {  	(tag) =	ssettag $0x2  }
0x7d: {  	s0 =	rddreg [dreg:$0x0];
	s2 =	stileid.u32  }
0x7e: {  	s1 =	rddreg [dreg:$0x1];
	p0 =	sne.s32 s2, $0x0  }
0x7f: {  	s3 =	rddreg [dreg:$0x2];
	[bflag:$0x3] =	sbarrier.arrive $0xFFFF;
	s2 =	simm.s32 @!p0 $0x1C05  }
0x80: {  	[timem:s3], [sflag:s2] =	dma.local @!p0 [hbm:s0], s1  }
0x81: {  	s0 =	simm.s32 @!p0 $0x5  }
0x82: {  	_ =	swait.ge @!p0 [sflag:s0], s1  }
0x83: {  	s1 =	ssub.s32 @!p0 $0x0, s1;
	[sflag:s0] =	ssyncset.done @!p0 $0x0  }
0x84: {  	[sflag:s0] =	ssyncadd.s32 @!p0 s1  }
0x85: {  	[bflag:$0x3] =	sbarrier.arrive $0xFFFF  }
0x86: {  	_ =	shalt  }

</sc_bundles>
